<compile_context>
chip_gen: v7x
topology: tpu7x:2x2x1
jax: 0.10.2.dev20260603
libtpu: 0.0.44.dev20260713+nightly
codegen_flags: <defaults>
</compile_context>

<pallas_src>
import functools

import jax
import jax.numpy as jnp
from jax import lax
from jax.experimental import pallas as pl
from jax.experimental.pallas import tpu as pltpu
from jax.experimental.pallas import tpu_sc as plsc

_BR = 1600
_W = 192
_CH = 40
_KC = 2


def _mlp_body(starts_ref, xb, yb, zb, w1x, w1y, b1, w2, b2, z1_out, cnt_out,
              cnt, *, blk0, nblk, q, w):
    i = pl.program_id(0)

    @pl.when(i == 0)
    def _init():
        cnt[...] = jnp.zeros_like(cnt)

    h = jnp.maximum(
        jnp.dot(xb[...], w1x[...], preferred_element_type=jnp.float32)
        + yb[...] * w1y[...] + b1[...], 0.0)
    z1_out[...] = jnp.maximum(
        jnp.dot(h, w2[...], preferred_element_type=jnp.float32) + b2[...], 0.0)

    start = pl.multiple_of(starts_ref[blk0 + i], 8)
    local = zb[0] - start
    br = local.shape[-1]
    oh = (jax.lax.broadcasted_iota(jnp.int32, (w, br), 0)
          == jnp.broadcast_to(local, (w, br))).astype(jnp.float32)
    cnt[pl.ds(start, w), :] = cnt[pl.ds(start, w), :] + jnp.sum(
        oh, axis=1, keepdims=True)

    @pl.when(i == nblk - 1)
    def _done():
        cnt_out[...] = cnt[...][:q]


def _heads_body(sums, cnts, wm, bm, wv, bv, eps,
                out_mean, out_logvar, out_mmb):
    c = jnp.sum(cnts[...], axis=1, keepdims=True)
    pos = c > 0.0
    bmat = jnp.where(pos, sums[...] / jnp.where(pos, c, 1.0), 0.0)
    m = jnp.dot(bmat, wm[...], preferred_element_type=jnp.float32) + bm[...]
    v = jnp.dot(bmat, wv[...], preferred_element_type=jnp.float32) + bv[...]
    out_mean[...] = m
    out_logvar[...] = v
    out_mmb[...] = m + jnp.exp(0.5 * v) * eps[...]


def _segsum_sc(n, q, h2):
    hc = h2 // 2
    ns = 16
    nchunk = n // _CH
    ct = nchunk // ns
    qrows = (q // ns) // 8 * 8
    qtail = q - qrows * ns
    mesh = plsc.VectorSubcoreMesh(core_axis_name="c", subcore_axis_name="s")

    @functools.partial(
        pl.kernel,
        mesh=mesh,
        out_type=jax.ShapeDtypeStruct((q, h2), jnp.float32),
        scratch_types=[
            pltpu.VMEM_SHARED((q, hc), jnp.float32),
            pltpu.VMEM((_CH, hc), jnp.float32),
            pltpu.VMEM((_CH, hc), jnp.float32),
            pltpu.VMEM((1, _CH), jnp.int32),
            pltpu.VMEM((1, _CH), jnp.int32),
            pltpu.SemaphoreType.DMA,
            pltpu.SemaphoreType.DMA,
            pltpu.SemaphoreType.DMA,
            pltpu.SemaphoreType.DMA,
        ],
    )
    def segsum(z1_hbm, z3_hbm, init_hbm, sums_hbm, table,
               rows0, rows1, idx0, idx1, semr0, semr1, semi0, semi1):
        c = lax.axis_index("c")
        s = lax.axis_index("s")
        qr0 = s * qrows

        pltpu.sync_copy(init_hbm.at[pl.ds(qr0, qrows), pl.ds(c * hc, hc)],
                        table.at[pl.ds(qr0, qrows), :])

        @pl.when(s == ns - 1)
        def _():
            pltpu.sync_copy(
                init_hbm.at[pl.ds(ns * qrows, qtail), pl.ds(c * hc, hc)],
                table.at[pl.ds(ns * qrows, qtail), :])

        plsc.subcore_barrier()

        k0 = s * ct
        rows = (rows0, rows1)
        idx = (idx0, idx1)
        semr = (semr0, semr1)
        semi = (semi0, semi1)

        def rows_src(k):
            return z1_hbm.at[pl.ds((k0 + k) * _CH, _CH), pl.ds(c * hc, hc)]

        def idx_src(k):
            return z3_hbm.at[k0 + k]

        def issue(k, b):
            pltpu.async_copy(rows_src(k), rows[b], semr[b])
            pltpu.async_copy(idx_src(k), idx[b], semi[b])

        issue(0, 0)
        issue(1, 1)

        def step(k, carry):
            for b in range(2):
                @pl.when(k % 2 == b)
                def _():
                    pltpu.make_async_copy(rows_src(k), rows[b], semr[b]).wait()
                    pltpu.make_async_copy(idx_src(k), idx[b], semi[b]).wait()
                    pltpu.sync_copy(rows[b], table.at[idx[b].at[0]], add=True)

                    @pl.when(k + 2 < ct)
                    def _():
                        issue(k + 2, b)
            return carry

        lax.fori_loop(0, ct, step, 0)
        plsc.subcore_barrier()

        pltpu.sync_copy(table.at[pl.ds(qr0, qrows), :],
                        sums_hbm.at[pl.ds(qr0, qrows), pl.ds(c * hc, hc)])

        @pl.when(s == ns - 1)
        def _():
            pltpu.sync_copy(
                table.at[pl.ds(ns * qrows, qtail), :],
                sums_hbm.at[pl.ds(ns * qrows, qtail), pl.ds(c * hc, hc)])

    return segsum


def kernel(X, y, Z, W1, b1, W2, b2, Wm, bm, Wv, bv):
    n, in_dim = X.shape
    h1 = W1.shape[1]
    h2 = W2.shape[1]
    d = Wm.shape[1]
    q = 10000
    br = _BR
    nblk = n // br
    w = _W
    qw = q + w

    zi = Z.astype(jnp.int32)
    zr = zi.reshape(nblk, 1, br)
    starts = (zi[::br] // 8) * 8
    w1x = W1[:in_dim]
    w1y = W1[in_dim:in_dim + 1]
    eps = jax.random.normal(jax.random.key(42), (q, d), dtype=jnp.float32)

    nc = n // _KC
    nblk_c = nc // br
    segsum = _segsum_sc(nc, q, h2)

    sums = jnp.zeros((q, h2), jnp.float32)
    cnts_list = []
    for t in range(_KC):
        grid_spec = pltpu.PrefetchScalarGridSpec(
            num_scalar_prefetch=1,
            grid=(nblk_c,),
            in_specs=[
                pl.BlockSpec((br, in_dim),
                             lambda i, s, t=t: (t * nblk_c + i, 0)),
                pl.BlockSpec((br, 1), lambda i, s, t=t: (t * nblk_c + i, 0)),
                pl.BlockSpec((1, 1, br),
                             lambda i, s, t=t: (t * nblk_c + i, 0, 0)),
                pl.BlockSpec((in_dim, h1), lambda i, s: (0, 0)),
                pl.BlockSpec((1, h1), lambda i, s: (0, 0)),
                pl.BlockSpec((1, h1), lambda i, s: (0, 0)),
                pl.BlockSpec((h1, h2), lambda i, s: (0, 0)),
                pl.BlockSpec((1, h2), lambda i, s: (0, 0)),
            ],
            out_specs=[
                pl.BlockSpec((br, h2), lambda i, s: (i, 0)),
                pl.BlockSpec((q, 1), lambda i, s: (0, 0)),
            ],
            scratch_shapes=[pltpu.VMEM((qw, 1), jnp.float32)],
        )
        z1_t, cnt_t = pl.pallas_call(
            functools.partial(_mlp_body, blk0=t * nblk_c, nblk=nblk_c,
                              q=q, w=w),
            grid_spec=grid_spec,
            out_shape=[
                jax.ShapeDtypeStruct((nc, h2), jnp.float32),
                jax.ShapeDtypeStruct((q, 1), jnp.float32),
            ],
            compiler_params=pltpu.CompilerParams(
                dimension_semantics=("arbitrary",)),
        )(starts, X, y, zr, w1x, w1y, b1.reshape(1, h1), W2,
          b2.reshape(1, h2))
        z3d_t = lax.dynamic_slice_in_dim(
            zi, t * nc, nc).reshape(nc // _CH, 1, _CH)
        sums = segsum(z1_t, z3d_t, sums)
        cnts_list.append(cnt_t)

    cnts = jnp.concatenate(cnts_list, axis=1)
    const = lambda i: (0, 0)
    mean, logvar, mmb = pl.pallas_call(
        _heads_body,
        grid=(1,),
        in_specs=[
            pl.BlockSpec((q, h2), const),
            pl.BlockSpec((q, _KC), const),
            pl.BlockSpec((h2, d), const),
            pl.BlockSpec((1, d), const),
            pl.BlockSpec((h2, d), const),
            pl.BlockSpec((1, d), const),
            pl.BlockSpec((q, d), const),
        ],
        out_specs=[
            pl.BlockSpec((q, d), const),
            pl.BlockSpec((q, d), const),
            pl.BlockSpec((q, d), const),
        ],
        out_shape=[jax.ShapeDtypeStruct((q, d), jnp.float32)] * 3,
    )(sums, cnts, Wm, bm.reshape(1, d), Wv, bv.reshape(1, d), eps)
    return (mean, logvar, mmb)

# --- scband reference (transcript-rebuilt; emitter-appended) ---
"""Pipeline reference for scband-mmbeddings-encoder-79233556677137 (READ-ONLY COPY).

The authoritative reference and input builder live on the scoring server;
editing this copy changes nothing except your own understanding.
"""

import jax, jax.numpy as jnp
import numpy as np

N = 160000
IN_DIM = 512
H1 = 512
H2 = 256
Q = 10000
D = 128

def setup_inputs(seed: int = 0) -> dict:
    key = jax.random.key(seed)
    ks = jax.random.split(key, 12)
    X = jax.random.normal(ks[0], (N, IN_DIM), dtype=jnp.float32)
    y = jax.random.normal(ks[1], (N, 1), dtype=jnp.float32)
    Z = jnp.sort(jax.random.randint(ks[2], (N,), 0, Q))
    W1 = jax.random.normal(ks[3], (IN_DIM + 1, H1), dtype=jnp.float32) * 0.02
    b1 = jnp.zeros((H1,), dtype=jnp.float32)
    W2 = jax.random.normal(ks[4], (H1, H2), dtype=jnp.float32) * 0.02
    b2 = jnp.zeros((H2,), dtype=jnp.float32)
    Wm = jax.random.normal(ks[5], (H2, D), dtype=jnp.float32) * 0.02
    bm = jnp.zeros((D,), dtype=jnp.float32)
    Wv = jax.random.normal(ks[6], (H2, D), dtype=jnp.float32) * 0.02
    bv = jnp.zeros((D,), dtype=jnp.float32)
    return {"X": X, "y": y, "Z": Z, "W1": W1, "b1": b1, "W2": W2, "b2": b2,
            "Wm": Wm, "bm": bm, "Wv": Wv, "bv": bv}

def reference(X, y, Z, W1, b1, W2, b2, Wm, bm, Wv, bv):
    # concat X and y, run encoder MLP (build_coder: Dense+relu per layer, dropout=0 at inference)
    xy = jnp.concatenate([X, y], axis=1)
    h = jax.nn.relu(xy @ W1 + b1)
    z1 = jax.nn.relu(h @ W2 + b2)
    # B = divide_no_nan(Z_onehot^T @ z1, counts)  == per-category mean == segment mean
    sums = jax.ops.segment_sum(z1, Z, num_segments=Q)
    counts = jax.ops.segment_sum(jnp.ones((Z.shape[0],), dtype=z1.dtype), Z, num_segments=Q)
    denom = jnp.where(counts > 0, counts, 1.0)[:, None]
    B = jnp.where(counts[:, None] > 0, sums / denom, 0.0)
    # per-RE-input mean / log_var heads + reparameterization sampling
    mmbeddings_mean = B @ Wm + bm
    mmbeddings_log_var = B @ Wv + bv
    eps = jax.random.normal(jax.random.key(42), mmbeddings_mean.shape, dtype=jnp.float32)
    mmbeddings = mmbeddings_mean + jnp.exp(0.5 * mmbeddings_log_var) * eps
    return (mmbeddings_mean, mmbeddings_log_var, mmbeddings)

if __name__ == "__main__":
    import jax
    _d = setup_inputs()
    print(jax.jit(kernel)(*tuple(_d.values())))

</pallas_src>

<mosaic_0001>
#map = affine_map<(d0, d1) -> (0, 0)>
#map1 = affine_map<(d0, d1) -> (0, 0, 0)>
module attributes {stable_mosaic.version = 14 : i64} {
  func.func @segsum(%arg0: i32, %arg1: i32, %arg2: memref<80000x256xf32, #tpu.memory_space<hbm>>, %arg3: memref<2000x1x40xi32, #tpu.memory_space<hbm>>, %arg4: memref<10000x256xf32, #tpu.memory_space<hbm>>, %arg5: memref<10000x256xf32, #tpu.memory_space<hbm>>, %arg6: memref<10000x128xf32, #tpu.memory_space<vmem_shared>>, %arg7: memref<40x128xf32, #tpu.memory_space<vmem>>, %arg8: memref<40x128xf32, #tpu.memory_space<vmem>>, %arg9: memref<1x40xi32, #tpu.memory_space<vmem>>, %arg10: memref<1x40xi32, #tpu.memory_space<vmem>>, %arg11: memref<!tpu.dma_semaphore, #tpu.memory_space<semaphore_mem>>, %arg12: memref<!tpu.dma_semaphore, #tpu.memory_space<semaphore_mem>>, %arg13: memref<!tpu.dma_semaphore, #tpu.memory_space<semaphore_mem>>, %arg14: memref<!tpu.dma_semaphore, #tpu.memory_space<semaphore_mem>>) attributes {dimension_semantics = [#tpu.dimension_semantics<core_parallel>, #tpu.dimension_semantics<subcore_parallel>], iteration_bounds = array<i64: 2, 16>, scalar_prefetch = 0 : i64, scratch_operands = 9 : i64, tpu.core_type = #tpu.core_type<sc_vector_subcore>, window_params = [{transform_indices = #map}, {transform_indices = #map1}, {transform_indices = #map}, {transform_indices = #map}]} {
    %mul3A = arith.constant 624 : i32
    %mul3A_0 = arith.muli %arg1, %mul3A : i32
    %mul3A_1 = arith.constant 128 : i32
    %mul3A_2 = arith.muli %arg0, %mul3A_1 : i32
    "tpu.region"() ({
      %run_scoped3A = tpu.sem_alloc : memref<!tpu.dma_semaphore, #tpu.memory_space<semaphore_mem>>
      %dma_start3A_54 = arith.constant 0 : i32
      %dma_start3A_55 = tpu.memref_slice %arg6[%mul3A_0, %dma_start3A_54] : memref<10000x128xf32, #tpu.memory_space<vmem_shared>> -> memref<624x128xf32, #tpu.memory_space<vmem_shared>>
      %dma_start3A_56 = tpu.memref_slice %arg4[%mul3A_0, %mul3A_2] : memref<10000x256xf32, #tpu.memory_space<hbm>> -> memref<624x128xf32, #tpu.memory_space<hbm>>
      tpu.enqueue_dma source(%dma_start3A_56 : memref<624x128xf32, #tpu.memory_space<hbm>>) target(%dma_start3A_55 : memref<624x128xf32, #tpu.memory_space<vmem_shared>>) target_semaphore(%run_scoped3A : memref<!tpu.dma_semaphore, #tpu.memory_space<semaphore_mem>>)
      %dma_wait3A = arith.constant 0 : i32
      %dma_wait3A_57 = tpu.memref_slice %arg6[%mul3A_0, %dma_wait3A] : memref<10000x128xf32, #tpu.memory_space<vmem_shared>> -> memref<624x128xf32, #tpu.memory_space<vmem_shared>>
      %dma_wait3A_58 = tpu.memref_slice %arg4[%mul3A_0, %mul3A_2] : memref<10000x256xf32, #tpu.memory_space<hbm>> -> memref<624x128xf32, #tpu.memory_space<hbm>>
      tpu.wait_dma2 semaphore(%run_scoped3A : memref<!tpu.dma_semaphore, #tpu.memory_space<semaphore_mem>>) src(%dma_wait3A_58 : memref<624x128xf32, #tpu.memory_space<hbm>>) dst(%dma_wait3A_57 : memref<624x128xf32, #tpu.memory_space<vmem_shared>>)
      tpu.yield
    }) : () -> ()
    %eq3A = arith.constant 15 : i32
    %eq3A_3 = arith.cmpi eq, %arg1, %eq3A : i32
    %convert_element_type3A = arith.extui %eq3A_3 : i1 to i32
    %cond3A = arith.constant 0 : i32
    %cond3A_4 = arith.cmpi ne, %convert_element_type3A, %cond3A : i32
    scf.if %cond3A_4 {
      %mul3A_54 = arith.constant 128 : i32
      %mul3A_55 = arith.muli %arg0, %mul3A_54 : i32
      "tpu.region"() ({
        %run_scoped3A = tpu.sem_alloc : memref<!tpu.dma_semaphore, #tpu.memory_space<semaphore_mem>>
        %dma_start3A_56 = arith.constant 9984 : i32
        %dma_start3A_57 = arith.constant 0 : i32
        %dma_start3A_58 = tpu.memref_slice %arg6[%dma_start3A_56, %dma_start3A_57] : memref<10000x128xf32, #tpu.memory_space<vmem_shared>> -> memref<16x128xf32, #tpu.memory_space<vmem_shared>>
        %dma_start3A_59 = arith.constant 9984 : i32
        %dma_start3A_60 = tpu.memref_slice %arg4[%dma_start3A_59, %mul3A_55] : memref<10000x256xf32, #tpu.memory_space<hbm>> -> memref<16x128xf32, #tpu.memory_space<hbm>>
        tpu.enqueue_dma source(%dma_start3A_60 : memref<16x128xf32, #tpu.memory_space<hbm>>) target(%dma_start3A_58 : memref<16x128xf32, #tpu.memory_space<vmem_shared>>) target_semaphore(%run_scoped3A : memref<!tpu.dma_semaphore, #tpu.memory_space<semaphore_mem>>)
        %dma_wait3A = arith.constant 9984 : i32
        %dma_wait3A_61 = arith.constant 0 : i32
        %dma_wait3A_62 = tpu.memref_slice %arg6[%dma_wait3A, %dma_wait3A_61] : memref<10000x128xf32, #tpu.memory_space<vmem_shared>> -> memref<16x128xf32, #tpu.memory_space<vmem_shared>>
        %dma_wait3A_63 = arith.constant 9984 : i32
        %dma_wait3A_64 = tpu.memref_slice %arg4[%dma_wait3A_63, %mul3A_55] : memref<10000x256xf32, #tpu.memory_space<hbm>> -> memref<16x128xf32, #tpu.memory_space<hbm>>
        tpu.wait_dma2 semaphore(%run_scoped3A : memref<!tpu.dma_semaphore, #tpu.memory_space<semaphore_mem>>) src(%dma_wait3A_64 : memref<16x128xf32, #tpu.memory_space<hbm>>) dst(%dma_wait3A_62 : memref<16x128xf32, #tpu.memory_space<vmem_shared>>)
        tpu.yield
      }) : () -> ()
    } else {
    }
    %barrier3A = arith.constant 0 : index
    tpu.barrier barrier_id(%barrier3A)
    %mul3A_5 = arith.constant 125 : i32
    %mul3A_6 = arith.muli %arg1, %mul3A_5 : i32
    %add3A = arith.constant 0 : i32
    %add3A_7 = arith.addi %mul3A_6, %add3A : i32
    %mul3A_8 = arith.constant 40 : i32
    %mul3A_9 = arith.muli %add3A_7, %mul3A_8 : i32
    %mul3A_10 = arith.constant 128 : i32
    %mul3A_11 = arith.muli %arg0, %mul3A_10 : i32
    %dma_start3A = tpu.memref_slice %arg2[%mul3A_9, %mul3A_11] : memref<80000x256xf32, #tpu.memory_space<hbm>> -> memref<40x128xf32, #tpu.memory_space<hbm>>
    %dma_start3A_12 = tpu.memref_slice %arg2[%mul3A_9, %mul3A_11] : memref<80000x256xf32, #tpu.memory_space<hbm>> -> memref<40x128xf32, #tpu.memory_space<hbm>>
    tpu.enqueue_dma source(%dma_start3A_12 : memref<40x128xf32, #tpu.memory_space<hbm>>) target(%arg7 : memref<40x128xf32, #tpu.memory_space<vmem>>) target_semaphore(%arg11 : memref<!tpu.dma_semaphore, #tpu.memory_space<semaphore_mem>>)
    %add3A_13 = arith.constant 0 : i32
    %add3A_14 = arith.addi %mul3A_6, %add3A_13 : i32
    %dma_start3A_15 = arith.constant 0 : i32
    %dma_start3A_16 = arith.constant 0 : i32
    %dma_start3A_17 = tpu.memref_slice %arg3[%add3A_14, %dma_start3A_15, %dma_start3A_16] : memref<2000x1x40xi32, #tpu.memory_space<hbm>> -> memref<1x1x40xi32, #tpu.memory_space<hbm>>
    %dma_start3A_18 = tpu.memref_squeeze %dma_start3A_17 : memref<1x1x40xi32, #tpu.memory_space<hbm>> -> memref<1x40xi32, #tpu.memory_space<hbm>>
    %dma_start3A_19 = arith.constant 0 : i32
    %dma_start3A_20 = arith.constant 0 : i32
    %dma_start3A_21 = tpu.memref_slice %arg3[%add3A_14, %dma_start3A_19, %dma_start3A_20] : memref<2000x1x40xi32, #tpu.memory_space<hbm>> -> memref<1x1x40xi32, #tpu.memory_space<hbm>>
    %dma_start3A_22 = tpu.memref_squeeze %dma_start3A_21 : memref<1x1x40xi32, #tpu.memory_space<hbm>> -> memref<1x40xi32, #tpu.memory_space<hbm>>
    tpu.enqueue_dma source(%dma_start3A_22 : memref<1x40xi32, #tpu.memory_space<hbm>>) target(%arg9 : memref<1x40xi32, #tpu.memory_space<vmem>>) target_semaphore(%arg13 : memref<!tpu.dma_semaphore, #tpu.memory_space<semaphore_mem>>)
    %add3A_23 = arith.constant 1 : i32
    %add3A_24 = arith.addi %mul3A_6, %add3A_23 : i32
    %mul3A_25 = arith.constant 40 : i32
    %mul3A_26 = arith.muli %add3A_24, %mul3A_25 : i32
    %mul3A_27 = arith.constant 128 : i32
    %mul3A_28 = arith.muli %arg0, %mul3A_27 : i32
    %dma_start3A_29 = tpu.memref_slice %arg2[%mul3A_26, %mul3A_28] : memref<80000x256xf32, #tpu.memory_space<hbm>> -> memref<40x128xf32, #tpu.memory_space<hbm>>
    %dma_start3A_30 = tpu.memref_slice %arg2[%mul3A_26, %mul3A_28] : memref<80000x256xf32, #tpu.memory_space<hbm>> -> memref<40x128xf32, #tpu.memory_space<hbm>>
    tpu.enqueue_dma source(%dma_start3A_30 : memref<40x128xf32, #tpu.memory_space<hbm>>) target(%arg8 : memref<40x128xf32, #tpu.memory_space<vmem>>) target_semaphore(%arg12 : memref<!tpu.dma_semaphore, #tpu.memory_space<semaphore_mem>>)
    %add3A_31 = arith.constant 1 : i32
    %add3A_32 = arith.addi %mul3A_6, %add3A_31 : i32
    %dma_start3A_33 = arith.constant 0 : i32
    %dma_start3A_34 = arith.constant 0 : i32
    %dma_start3A_35 = tpu.memref_slice %arg3[%add3A_32, %dma_start3A_33, %dma_start3A_34] : memref<2000x1x40xi32, #tpu.memory_space<hbm>> -> memref<1x1x40xi32, #tpu.memory_space<hbm>>
    %dma_start3A_36 = tpu.memref_squeeze %dma_start3A_35 : memref<1x1x40xi32, #tpu.memory_space<hbm>> -> memref<1x40xi32, #tpu.memory_space<hbm>>
    %dma_start3A_37 = arith.constant 0 : i32
    %dma_start3A_38 = arith.constant 0 : i32
    %dma_start3A_39 = tpu.memref_slice %arg3[%add3A_32, %dma_start3A_37, %dma_start3A_38] : memref<2000x1x40xi32, #tpu.memory_space<hbm>> -> memref<1x1x40xi32, #tpu.memory_space<hbm>>
    %dma_start3A_40 = tpu.memref_squeeze %dma_start3A_39 : memref<1x1x40xi32, #tpu.memory_space<hbm>> -> memref<1x40xi32, #tpu.memory_space<hbm>>
    tpu.enqueue_dma source(%dma_start3A_40 : memref<1x40xi32, #tpu.memory_space<hbm>>) target(%arg10 : memref<1x40xi32, #tpu.memory_space<vmem>>) target_semaphore(%arg14 : memref<!tpu.dma_semaphore, #tpu.memory_space<semaphore_mem>>)
    %scan3A = arith.constant 0 : i32
    %scan3A_41 = arith.constant 0 : i32
    %scan3A_42 = arith.constant 125 : i32
    %scan3A_43 = arith.addi %scan3A_41, %scan3A_42 : i32
    %scan3A_44 = arith.constant 1 : i32
    scf.for %scan3A_54 = %scan3A_41 to %scan3A_43 step %scan3A_44  : i32 {
      %jit3A = arith.constant 2 : i32
      %eq3A_55 = arith.constant 0 : i32
      %eq3A_56 = arith.cmpi eq, %jit3A, %eq3A_55 : i32
      %jit3A_57 = arith.constant 1 : i32
      %select_n3A = arith.select %eq3A_56, %jit3A_57, %jit3A : i32
      %rem3A = arith.remsi %scan3A_54, %select_n3A : i32
      %ne3A = arith.constant 0 : i32
      %ne3A_58 = arith.cmpi ne, %rem3A, %ne3A : i32
      %lt3A = arith.constant 0 : i32
      %lt3A_59 = arith.cmpi slt, %rem3A, %lt3A : i32
      %lt3A_60 = arith.constant 0 : i32
      %lt3A_61 = arith.cmpi slt, %select_n3A, %lt3A_60 : i32
      %ne3A_62 = arith.xori %lt3A_59, %lt3A_61 : i1
      %and3A = arith.andi %ne3A_62, %ne3A_58 : i1
      %add3A_63 = arith.addi %rem3A, %select_n3A : i32
      %select_n3A_64 = arith.select %and3A, %add3A_63, %rem3A : i32
      %eq3A_65 = arith.constant 0 : i32
      %eq3A_66 = arith.cmpi eq, %select_n3A_64, %eq3A_65 : i32
      %convert_element_type3A_67 = arith.extui %eq3A_66 : i1 to i32
      %cond3A_68 = arith.constant 0 : i32
      %cond3A_69 = arith.cmpi ne, %convert_element_type3A_67, %cond3A_68 : i32
      scf.if %cond3A_69 {
        %add3A_91 = arith.addi %mul3A_6, %scan3A_54 : i32
        %mul3A_92 = arith.constant 40 : i32
        %mul3A_93 = arith.muli %add3A_91, %mul3A_92 : i32
        %mul3A_94 = arith.constant 128 : i32
        %mul3A_95 = arith.muli %arg0, %mul3A_94 : i32
        %dma_wait3A = tpu.memref_slice %arg2[%mul3A_93, %mul3A_95] : memref<80000x256xf32, #tpu.memory_space<hbm>> -> memref<40x128xf32, #tpu.memory_space<hbm>>
        %dma_wait3A_96 = tpu.memref_slice %arg2[%mul3A_93, %mul3A_95] : memref<80000x256xf32, #tpu.memory_space<hbm>> -> memref<40x128xf32, #tpu.memory_space<hbm>>
        tpu.wait_dma2 semaphore(%arg11 : memref<!tpu.dma_semaphore, #tpu.memory_space<semaphore_mem>>) src(%dma_wait3A_96 : memref<40x128xf32, #tpu.memory_space<hbm>>) dst(%arg7 : memref<40x128xf32, #tpu.memory_space<vmem>>)
        %add3A_97 = arith.addi %mul3A_6, %scan3A_54 : i32
        %dma_wait3A_98 = arith.constant 0 : i32
        %dma_wait3A_99 = arith.constant 0 : i32
        %dma_wait3A_100 = tpu.memref_slice %arg3[%add3A_97, %dma_wait3A_98, %dma_wait3A_99] : memref<2000x1x40xi32, #tpu.memory_space<hbm>> -> memref<1x1x40xi32, #tpu.memory_space<hbm>>
        %dma_wait3A_101 = tpu.memref_squeeze %dma_wait3A_100 : memref<1x1x40xi32, #tpu.memory_space<hbm>> -> memref<1x40xi32, #tpu.memory_space<hbm>>
        %dma_wait3A_102 = arith.constant 0 : i32
        %dma_wait3A_103 = arith.constant 0 : i32
        %dma_wait3A_104 = tpu.memref_slice %arg3[%add3A_97, %dma_wait3A_102, %dma_wait3A_103] : memref<2000x1x40xi32, #tpu.memory_space<hbm>> -> memref<1x1x40xi32, #tpu.memory_space<hbm>>
        %dma_wait3A_105 = tpu.memref_squeeze %dma_wait3A_104 : memref<1x1x40xi32, #tpu.memory_space<hbm>> -> memref<1x40xi32, #tpu.memory_space<hbm>>
        tpu.wait_dma2 semaphore(%arg13 : memref<!tpu.dma_semaphore, #tpu.memory_space<semaphore_mem>>) src(%dma_wait3A_105 : memref<1x40xi32, #tpu.memory_space<hbm>>) dst(%arg9 : memref<1x40xi32, #tpu.memory_space<vmem>>)
        %run_scoped3A = arith.constant 0 : i32
        "tpu.region"() ({
          %run_scoped3A_113 = tpu.sem_alloc : memref<!tpu.dma_semaphore, #tpu.memory_space<semaphore_mem>>
          %dma_start3A_114 = arith.constant 0 : i32
          %dma_start3A_115 = tpu.memref_slice %arg9[%run_scoped3A, %dma_start3A_114] : memref<1x40xi32, #tpu.memory_space<vmem>> -> memref<1x40xi32, #tpu.memory_space<vmem>>
          %dma_start3A_116 = tpu.memref_squeeze %dma_start3A_115 : memref<1x40xi32, #tpu.memory_space<vmem>> -> memref<40xi32, #tpu.memory_space<vmem>>
          %dma_start3A_117 = arith.constant 0 : i32
          %dma_start3A_118 = arith.constant 0 : i32
          %dma_start3A_119 = tpu.memref_slice %arg6[%dma_start3A_117, %dma_start3A_118] : memref<10000x128xf32, #tpu.memory_space<vmem_shared>> -> memref<10000x128xf32, #tpu.memory_space<vmem_shared>>
          tpu.enqueue_indirect_dma source(%arg7 : memref<40x128xf32, #tpu.memory_space<vmem>>) target(%dma_start3A_119 : memref<10000x128xf32, #tpu.memory_space<vmem_shared>>) offsets(%dma_start3A_116 : memref<40xi32, #tpu.memory_space<vmem>>) semaphore(%run_scoped3A_113 : memref<!tpu.dma_semaphore, #tpu.memory_space<semaphore_mem>>) {add = true}
          %dma_wait3A_120 = arith.constant 0 : i32
          %dma_wait3A_121 = tpu.memref_slice %arg9[%run_scoped3A, %dma_wait3A_120] : memref<1x40xi32, #tpu.memory_space<vmem>> -> memref<1x40xi32, #tpu.memory_space<vmem>>
          %dma_wait3A_122 = tpu.memref_squeeze %dma_wait3A_121 : memref<1x40xi32, #tpu.memory_space<vmem>> -> memref<40xi32, #tpu.memory_space<vmem>>
          %dma_wait3A_123 = arith.constant 0 : i32
          %dma_wait3A_124 = arith.constant 0 : i32
          %dma_wait3A_125 = tpu.memref_slice %arg6[%dma_wait3A_123, %dma_wait3A_124] : memref<10000x128xf32, #tpu.memory_space<vmem_shared>> -> memref<10000x128xf32, #tpu.memory_space<vmem_shared>>
          tpu.wait_indirect_dma semaphore(%run_scoped3A_113 : memref<!tpu.dma_semaphore, #tpu.memory_space<semaphore_mem>>) src(%arg7 : memref<40x128xf32, #tpu.memory_space<vmem>>) dst(%dma_wait3A_125 : memref<10000x128xf32, #tpu.memory_space<vmem_shared>>)
          tpu.yield
        }) : () -> ()
        %add3A_106 = arith.constant 2 : i32
        %add3A_107 = arith.addi %scan3A_54, %add3A_106 : i32
        %lt3A_108 = arith.constant 125 : i32
        %lt3A_109 = arith.cmpi slt, %add3A_107, %lt3A_108 : i32
        %convert_element_type3A_110 = arith.extui %lt3A_109 : i1 to i32
        %cond3A_111 = arith.constant 0 : i32
        %cond3A_112 = arith.cmpi ne, %convert_element_type3A_110, %cond3A_111 : i32
        scf.if %cond3A_112 {
          %add3A_113 = arith.constant 2 : i32
          %add3A_114 = arith.addi %scan3A_54, %add3A_113 : i32
          %add3A_115 = arith.addi %mul3A_6, %add3A_114 : i32
          %mul3A_116 = arith.constant 40 : i32
          %mul3A_117 = arith.muli %add3A_115, %mul3A_116 : i32
          %mul3A_118 = arith.constant 128 : i32
          %mul3A_119 = arith.muli %arg0, %mul3A_118 : i32
          %dma_start3A_120 = tpu.memref_slice %arg2[%mul3A_117, %mul3A_119] : memref<80000x256xf32, #tpu.memory_space<hbm>> -> memref<40x128xf32, #tpu.memory_space<hbm>>
          %dma_start3A_121 = tpu.memref_slice %arg2[%mul3A_117, %mul3A_119] : memref<80000x256xf32, #tpu.memory_space<hbm>> -> memref<40x128xf32, #tpu.memory_space<hbm>>
          tpu.enqueue_dma source(%dma_start3A_121 : memref<40x128xf32, #tpu.memory_space<hbm>>) target(%arg7 : memref<40x128xf32, #tpu.memory_space<vmem>>) target_semaphore(%arg11 : memref<!tpu.dma_semaphore, #tpu.memory_space<semaphore_mem>>)
          %add3A_122 = arith.addi %mul3A_6, %add3A_114 : i32
          %dma_start3A_123 = arith.constant 0 : i32
          %dma_start3A_124 = arith.constant 0 : i32
          %dma_start3A_125 = tpu.memref_slice %arg3[%add3A_122, %dma_start3A_123, %dma_start3A_124] : memref<2000x1x40xi32, #tpu.memory_space<hbm>> -> memref<1x1x40xi32, #tpu.memory_space<hbm>>
          %dma_start3A_126 = tpu.memref_squeeze %dma_start3A_125 : memref<1x1x40xi32, #tpu.memory_space<hbm>> -> memref<1x40xi32, #tpu.memory_space<hbm>>
          %dma_start3A_127 = arith.constant 0 : i32
          %dma_start3A_128 = arith.constant 0 : i32
          %dma_start3A_129 = tpu.memref_slice %arg3[%add3A_122, %dma_start3A_127, %dma_start3A_128] : memref<2000x1x40xi32, #tpu.memory_space<hbm>> -> memref<1x1x40xi32, #tpu.memory_space<hbm>>
          %dma_start3A_130 = tpu.memref_squeeze %dma_start3A_129 : memref<1x1x40xi32, #tpu.memory_space<hbm>> -> memref<1x40xi32, #tpu.memory_space<hbm>>
          tpu.enqueue_dma source(%dma_start3A_130 : memref<1x40xi32, #tpu.memory_space<hbm>>) target(%arg9 : memref<1x40xi32, #tpu.memory_space<vmem>>) target_semaphore(%arg13 : memref<!tpu.dma_semaphore, #tpu.memory_space<semaphore_mem>>)
        } else {
        }
      } else {
      }
      %jit3A_70 = arith.constant 2 : i32
      %eq3A_71 = arith.constant 0 : i32
      %eq3A_72 = arith.cmpi eq, %jit3A_70, %eq3A_71 : i32
      %jit3A_73 = arith.constant 1 : i32
      %select_n3A_74 = arith.select %eq3A_72, %jit3A_73, %jit3A_70 : i32
      %rem3A_75 = arith.remsi %scan3A_54, %select_n3A_74 : i32
      %ne3A_76 = arith.constant 0 : i32
      %ne3A_77 = arith.cmpi ne, %rem3A_75, %ne3A_76 : i32
      %lt3A_78 = arith.constant 0 : i32
      %lt3A_79 = arith.cmpi slt, %rem3A_75, %lt3A_78 : i32
      %lt3A_80 = arith.constant 0 : i32
      %lt3A_81 = arith.cmpi slt, %select_n3A_74, %lt3A_80 : i32
      %ne3A_82 = arith.xori %lt3A_79, %lt3A_81 : i1
      %and3A_83 = arith.andi %ne3A_82, %ne3A_77 : i1
      %add3A_84 = arith.addi %rem3A_75, %select_n3A_74 : i32
      %select_n3A_85 = arith.select %and3A_83, %add3A_84, %rem3A_75 : i32
      %eq3A_86 = arith.constant 1 : i32
      %eq3A_87 = arith.cmpi eq, %select_n3A_85, %eq3A_86 : i32
      %convert_element_type3A_88 = arith.extui %eq3A_87 : i1 to i32
      %cond3A_89 = arith.constant 0 : i32
      %cond3A_90 = arith.cmpi ne, %convert_element_type3A_88, %cond3A_89 : i32
      scf.if %cond3A_90 {
        %add3A_91 = arith.addi %mul3A_6, %scan3A_54 : i32
        %mul3A_92 = arith.constant 40 : i32
        %mul3A_93 = arith.muli %add3A_91, %mul3A_92 : i32
        %mul3A_94 = arith.constant 128 : i32
        %mul3A_95 = arith.muli %arg0, %mul3A_94 : i32
        %dma_wait3A = tpu.memref_slice %arg2[%mul3A_93, %mul3A_95] : memref<80000x256xf32, #tpu.memory_space<hbm>> -> memref<40x128xf32, #tpu.memory_space<hbm>>
        %dma_wait3A_96 = tpu.memref_slice %arg2[%mul3A_93, %mul3A_95] : memref<80000x256xf32, #tpu.memory_space<hbm>> -> memref<40x128xf32, #tpu.memory_space<hbm>>
        tpu.wait_dma2 semaphore(%arg12 : memref<!tpu.dma_semaphore, #tpu.memory_space<semaphore_mem>>) src(%dma_wait3A_96 : memref<40x128xf32, #tpu.memory_space<hbm>>) dst(%arg8 : memref<40x128xf32, #tpu.memory_space<vmem>>)
        %add3A_97 = arith.addi %mul3A_6, %scan3A_54 : i32
        %dma_wait3A_98 = arith.constant 0 : i32
        %dma_wait3A_99 = arith.constant 0 : i32
        %dma_wait3A_100 = tpu.memref_slice %arg3[%add3A_97, %dma_wait3A_98, %dma_wait3A_99] : memref<2000x1x40xi32, #tpu.memory_space<hbm>> -> memref<1x1x40xi32, #tpu.memory_space<hbm>>
        %dma_wait3A_101 = tpu.memref_squeeze %dma_wait3A_100 : memref<1x1x40xi32, #tpu.memory_space<hbm>> -> memref<1x40xi32, #tpu.memory_space<hbm>>
        %dma_wait3A_102 = arith.constant 0 : i32
        %dma_wait3A_103 = arith.constant 0 : i32
        %dma_wait3A_104 = tpu.memref_slice %arg3[%add3A_97, %dma_wait3A_102, %dma_wait3A_103] : memref<2000x1x40xi32, #tpu.memory_space<hbm>> -> memref<1x1x40xi32, #tpu.memory_space<hbm>>
        %dma_wait3A_105 = tpu.memref_squeeze %dma_wait3A_104 : memref<1x1x40xi32, #tpu.memory_space<hbm>> -> memref<1x40xi32, #tpu.memory_space<hbm>>
        tpu.wait_dma2 semaphore(%arg14 : memref<!tpu.dma_semaphore, #tpu.memory_space<semaphore_mem>>) src(%dma_wait3A_105 : memref<1x40xi32, #tpu.memory_space<hbm>>) dst(%arg10 : memref<1x40xi32, #tpu.memory_space<vmem>>)
        %run_scoped3A = arith.constant 0 : i32
        "tpu.region"() ({
          %run_scoped3A_113 = tpu.sem_alloc : memref<!tpu.dma_semaphore, #tpu.memory_space<semaphore_mem>>
          %dma_start3A_114 = arith.constant 0 : i32
          %dma_start3A_115 = tpu.memref_slice %arg10[%run_scoped3A, %dma_start3A_114] : memref<1x40xi32, #tpu.memory_space<vmem>> -> memref<1x40xi32, #tpu.memory_space<vmem>>
          %dma_start3A_116 = tpu.memref_squeeze %dma_start3A_115 : memref<1x40xi32, #tpu.memory_space<vmem>> -> memref<40xi32, #tpu.memory_space<vmem>>
          %dma_start3A_117 = arith.constant 0 : i32
          %dma_start3A_118 = arith.constant 0 : i32
          %dma_start3A_119 = tpu.memref_slice %arg6[%dma_start3A_117, %dma_start3A_118] : memref<10000x128xf32, #tpu.memory_space<vmem_shared>> -> memref<10000x128xf32, #tpu.memory_space<vmem_shared>>
          tpu.enqueue_indirect_dma source(%arg8 : memref<40x128xf32, #tpu.memory_space<vmem>>) target(%dma_start3A_119 : memref<10000x128xf32, #tpu.memory_space<vmem_shared>>) offsets(%dma_start3A_116 : memref<40xi32, #tpu.memory_space<vmem>>) semaphore(%run_scoped3A_113 : memref<!tpu.dma_semaphore, #tpu.memory_space<semaphore_mem>>) {add = true}
          %dma_wait3A_120 = arith.constant 0 : i32
          %dma_wait3A_121 = tpu.memref_slice %arg10[%run_scoped3A, %dma_wait3A_120] : memref<1x40xi32, #tpu.memory_space<vmem>> -> memref<1x40xi32, #tpu.memory_space<vmem>>
          %dma_wait3A_122 = tpu.memref_squeeze %dma_wait3A_121 : memref<1x40xi32, #tpu.memory_space<vmem>> -> memref<40xi32, #tpu.memory_space<vmem>>
          %dma_wait3A_123 = arith.constant 0 : i32
          %dma_wait3A_124 = arith.constant 0 : i32
          %dma_wait3A_125 = tpu.memref_slice %arg6[%dma_wait3A_123, %dma_wait3A_124] : memref<10000x128xf32, #tpu.memory_space<vmem_shared>> -> memref<10000x128xf32, #tpu.memory_space<vmem_shared>>
          tpu.wait_indirect_dma semaphore(%run_scoped3A_113 : memref<!tpu.dma_semaphore, #tpu.memory_space<semaphore_mem>>) src(%arg8 : memref<40x128xf32, #tpu.memory_space<vmem>>) dst(%dma_wait3A_125 : memref<10000x128xf32, #tpu.memory_space<vmem_shared>>)
          tpu.yield
        }) : () -> ()
        %add3A_106 = arith.constant 2 : i32
        %add3A_107 = arith.addi %scan3A_54, %add3A_106 : i32
        %lt3A_108 = arith.constant 125 : i32
        %lt3A_109 = arith.cmpi slt, %add3A_107, %lt3A_108 : i32
        %convert_element_type3A_110 = arith.extui %lt3A_109 : i1 to i32
        %cond3A_111 = arith.constant 0 : i32
        %cond3A_112 = arith.cmpi ne, %convert_element_type3A_110, %cond3A_111 : i32
        scf.if %cond3A_112 {
          %add3A_113 = arith.constant 2 : i32
          %add3A_114 = arith.addi %scan3A_54, %add3A_113 : i32
          %add3A_115 = arith.addi %mul3A_6, %add3A_114 : i32
          %mul3A_116 = arith.constant 40 : i32
          %mul3A_117 = arith.muli %add3A_115, %mul3A_116 : i32
          %mul3A_118 = arith.constant 128 : i32
          %mul3A_119 = arith.muli %arg0, %mul3A_118 : i32
          %dma_start3A_120 = tpu.memref_slice %arg2[%mul3A_117, %mul3A_119] : memref<80000x256xf32, #tpu.memory_space<hbm>> -> memref<40x128xf32, #tpu.memory_space<hbm>>
          %dma_start3A_121 = tpu.memref_slice %arg2[%mul3A_117, %mul3A_119] : memref<80000x256xf32, #tpu.memory_space<hbm>> -> memref<40x128xf32, #tpu.memory_space<hbm>>
          tpu.enqueue_dma source(%dma_start3A_121 : memref<40x128xf32, #tpu.memory_space<hbm>>) target(%arg8 : memref<40x128xf32, #tpu.memory_space<vmem>>) target_semaphore(%arg12 : memref<!tpu.dma_semaphore, #tpu.memory_space<semaphore_mem>>)
          %add3A_122 = arith.addi %mul3A_6, %add3A_114 : i32
          %dma_start3A_123 = arith.constant 0 : i32
          %dma_start3A_124 = arith.constant 0 : i32
          %dma_start3A_125 = tpu.memref_slice %arg3[%add3A_122, %dma_start3A_123, %dma_start3A_124] : memref<2000x1x40xi32, #tpu.memory_space<hbm>> -> memref<1x1x40xi32, #tpu.memory_space<hbm>>
          %dma_start3A_126 = tpu.memref_squeeze %dma_start3A_125 : memref<1x1x40xi32, #tpu.memory_space<hbm>> -> memref<1x40xi32, #tpu.memory_space<hbm>>
          %dma_start3A_127 = arith.constant 0 : i32
          %dma_start3A_128 = arith.constant 0 : i32
          %dma_start3A_129 = tpu.memref_slice %arg3[%add3A_122, %dma_start3A_127, %dma_start3A_128] : memref<2000x1x40xi32, #tpu.memory_space<hbm>> -> memref<1x1x40xi32, #tpu.memory_space<hbm>>
          %dma_start3A_130 = tpu.memref_squeeze %dma_start3A_129 : memref<1x1x40xi32, #tpu.memory_space<hbm>> -> memref<1x40xi32, #tpu.memory_space<hbm>>
          tpu.enqueue_dma source(%dma_start3A_130 : memref<1x40xi32, #tpu.memory_space<hbm>>) target(%arg10 : memref<1x40xi32, #tpu.memory_space<vmem>>) target_semaphore(%arg14 : memref<!tpu.dma_semaphore, #tpu.memory_space<semaphore_mem>>)
        } else {
        }
      } else {
      }
    }
    %scan3A_45 = arith.constant 125 : i32
    %barrier3A_46 = arith.constant 0 : index
    tpu.barrier barrier_id(%barrier3A_46)
    %mul3A_47 = arith.constant 128 : i32
    %mul3A_48 = arith.muli %arg0, %mul3A_47 : i32
    "tpu.region"() ({
      %run_scoped3A = tpu.sem_alloc : memref<!tpu.dma_semaphore, #tpu.memory_space<semaphore_mem>>
      %dma_start3A_54 = tpu.memref_slice %arg5[%mul3A_0, %mul3A_48] : memref<10000x256xf32, #tpu.memory_space<hbm>> -> memref<624x128xf32, #tpu.memory_space<hbm>>
      %dma_start3A_55 = arith.constant 0 : i32
      %dma_start3A_56 = tpu.memref_slice %arg6[%mul3A_0, %dma_start3A_55] : memref<10000x128xf32, #tpu.memory_space<vmem_shared>> -> memref<624x128xf32, #tpu.memory_space<vmem_shared>>
      tpu.enqueue_dma source(%dma_start3A_56 : memref<624x128xf32, #tpu.memory_space<vmem_shared>>) target(%dma_start3A_54 : memref<624x128xf32, #tpu.memory_space<hbm>>) target_semaphore(%run_scoped3A : memref<!tpu.dma_semaphore, #tpu.memory_space<semaphore_mem>>)
      %dma_wait3A = tpu.memref_slice %arg5[%mul3A_0, %mul3A_48] : memref<10000x256xf32, #tpu.memory_space<hbm>> -> memref<624x128xf32, #tpu.memory_space<hbm>>
      %dma_wait3A_57 = arith.constant 0 : i32
      %dma_wait3A_58 = tpu.memref_slice %arg6[%mul3A_0, %dma_wait3A_57] : memref<10000x128xf32, #tpu.memory_space<vmem_shared>> -> memref<624x128xf32, #tpu.memory_space<vmem_shared>>
      tpu.wait_dma2 semaphore(%run_scoped3A : memref<!tpu.dma_semaphore, #tpu.memory_space<semaphore_mem>>) src(%dma_wait3A_58 : memref<624x128xf32, #tpu.memory_space<vmem_shared>>) dst(%dma_wait3A : memref<624x128xf32, #tpu.memory_space<hbm>>)
      tpu.yield
    }) : () -> ()
    %eq3A_49 = arith.constant 15 : i32
    %eq3A_50 = arith.cmpi eq, %arg1, %eq3A_49 : i32
    %convert_element_type3A_51 = arith.extui %eq3A_50 : i1 to i32
    %cond3A_52 = arith.constant 0 : i32
    %cond3A_53 = arith.cmpi ne, %convert_element_type3A_51, %cond3A_52 : i32
    scf.if %cond3A_53 {
      %mul3A_54 = arith.constant 128 : i32
      %mul3A_55 = arith.muli %arg0, %mul3A_54 : i32
      "tpu.region"() ({
        %run_scoped3A = tpu.sem_alloc : memref<!tpu.dma_semaphore, #tpu.memory_space<semaphore_mem>>
        %dma_start3A_56 = arith.constant 9984 : i32
        %dma_start3A_57 = tpu.memref_slice %arg5[%dma_start3A_56, %mul3A_55] : memref<10000x256xf32, #tpu.memory_space<hbm>> -> memref<16x128xf32, #tpu.memory_space<hbm>>
        %dma_start3A_58 = arith.constant 9984 : i32
        %dma_start3A_59 = arith.constant 0 : i32
        %dma_start3A_60 = tpu.memref_slice %arg6[%dma_start3A_58, %dma_start3A_59] : memref<10000x128xf32, #tpu.memory_space<vmem_shared>> -> memref<16x128xf32, #tpu.memory_space<vmem_shared>>
        tpu.enqueue_dma source(%dma_start3A_60 : memref<16x128xf32, #tpu.memory_space<vmem_shared>>) target(%dma_start3A_57 : memref<16x128xf32, #tpu.memory_space<hbm>>) target_semaphore(%run_scoped3A : memref<!tpu.dma_semaphore, #tpu.memory_space<semaphore_mem>>)
        %dma_wait3A = arith.constant 9984 : i32
        %dma_wait3A_61 = tpu.memref_slice %arg5[%dma_wait3A, %mul3A_55] : memref<10000x256xf32, #tpu.memory_space<hbm>> -> memref<16x128xf32, #tpu.memory_space<hbm>>
        %dma_wait3A_62 = arith.constant 9984 : i32
        %dma_wait3A_63 = arith.constant 0 : i32
        %dma_wait3A_64 = tpu.memref_slice %arg6[%dma_wait3A_62, %dma_wait3A_63] : memref<10000x128xf32, #tpu.memory_space<vmem_shared>> -> memref<16x128xf32, #tpu.memory_space<vmem_shared>>
        tpu.wait_dma2 semaphore(%run_scoped3A : memref<!tpu.dma_semaphore, #tpu.memory_space<semaphore_mem>>) src(%dma_wait3A_64 : memref<16x128xf32, #tpu.memory_space<vmem_shared>>) dst(%dma_wait3A_61 : memref<16x128xf32, #tpu.memory_space<hbm>>)
        tpu.yield
      }) : () -> ()
    } else {
    }
    return
  }
}

#map = affine_map<(d0, d1) -> (0, 0)>
#map1 = affine_map<(d0, d1) -> (0, 0, 0)>
module attributes {stable_mosaic.version = 14 : i64} {
  func.func @segsum(%arg0: i32, %arg1: i32, %arg2: memref<80000x256xf32, #tpu.memory_space<hbm>>, %arg3: memref<2000x1x40xi32, #tpu.memory_space<hbm>>, %arg4: memref<10000x256xf32, #tpu.memory_space<hbm>>, %arg5: memref<10000x256xf32, #tpu.memory_space<hbm>>, %arg6: memref<10000x128xf32, #tpu.memory_space<vmem_shared>>, %arg7: memref<40x128xf32, #tpu.memory_space<vmem>>, %arg8: memref<40x128xf32, #tpu.memory_space<vmem>>, %arg9: memref<1x40xi32, #tpu.memory_space<vmem>>, %arg10: memref<1x40xi32, #tpu.memory_space<vmem>>, %arg11: memref<!tpu.dma_semaphore, #tpu.memory_space<semaphore_mem>>, %arg12: memref<!tpu.dma_semaphore, #tpu.memory_space<semaphore_mem>>, %arg13: memref<!tpu.dma_semaphore, #tpu.memory_space<semaphore_mem>>, %arg14: memref<!tpu.dma_semaphore, #tpu.memory_space<semaphore_mem>>) attributes {dimension_semantics = [#tpu.dimension_semantics<core_parallel>, #tpu.dimension_semantics<subcore_parallel>], iteration_bounds = array<i64: 2, 16>, scalar_prefetch = 0 : i64, scratch_operands = 9 : i64, tpu.core_type = #tpu.core_type<sc_vector_subcore>, window_params = [{transform_indices = #map}, {transform_indices = #map1}, {transform_indices = #map}, {transform_indices = #map}]} {
    %mul3A = arith.constant 624 : i32
    %mul3A_0 = arith.muli %arg1, %mul3A : i32
    %mul3A_1 = arith.constant 128 : i32
    %mul3A_2 = arith.muli %arg0, %mul3A_1 : i32
    "tpu.region"() ({
      %run_scoped3A = tpu.sem_alloc : memref<!tpu.dma_semaphore, #tpu.memory_space<semaphore_mem>>
      %dma_start3A_54 = arith.constant 0 : i32
      %dma_start3A_55 = tpu.memref_slice %arg6[%mul3A_0, %dma_start3A_54] : memref<10000x128xf32, #tpu.memory_space<vmem_shared>> -> memref<624x128xf32, #tpu.memory_space<vmem_shared>>
      %dma_start3A_56 = tpu.memref_slice %arg4[%mul3A_0, %mul3A_2] : memref<10000x256xf32, #tpu.memory_space<hbm>> -> memref<624x128xf32, #tpu.memory_space<hbm>>
      tpu.enqueue_dma source(%dma_start3A_56 : memref<624x128xf32, #tpu.memory_space<hbm>>) target(%dma_start3A_55 : memref<624x128xf32, #tpu.memory_space<vmem_shared>>) target_semaphore(%run_scoped3A : memref<!tpu.dma_semaphore, #tpu.memory_space<semaphore_mem>>)
      %dma_wait3A = arith.constant 0 : i32
      %dma_wait3A_57 = tpu.memref_slice %arg6[%mul3A_0, %dma_wait3A] : memref<10000x128xf32, #tpu.memory_space<vmem_shared>> -> memref<624x128xf32, #tpu.memory_space<vmem_shared>>
      %dma_wait3A_58 = tpu.memref_slice %arg4[%mul3A_0, %mul3A_2] : memref<10000x256xf32, #tpu.memory_space<hbm>> -> memref<624x128xf32, #tpu.memory_space<hbm>>
      tpu.wait_dma2 semaphore(%run_scoped3A : memref<!tpu.dma_semaphore, #tpu.memory_space<semaphore_mem>>) src(%dma_wait3A_58 : memref<624x128xf32, #tpu.memory_space<hbm>>) dst(%dma_wait3A_57 : memref<624x128xf32, #tpu.memory_space<vmem_shared>>)
      tpu.yield
    }) : () -> ()
    %eq3A = arith.constant 15 : i32
    %eq3A_3 = arith.cmpi eq, %arg1, %eq3A : i32
    %convert_element_type3A = arith.extui %eq3A_3 : i1 to i32
    %cond3A = arith.constant 0 : i32
    %cond3A_4 = arith.cmpi ne, %convert_element_type3A, %cond3A : i32
    scf.if %cond3A_4 {
      %mul3A_54 = arith.constant 128 : i32
      %mul3A_55 = arith.muli %arg0, %mul3A_54 : i32
      "tpu.region"() ({
        %run_scoped3A = tpu.sem_alloc : memref<!tpu.dma_semaphore, #tpu.memory_space<semaphore_mem>>
        %dma_start3A_56 = arith.constant 9984 : i32
        %dma_start3A_57 = arith.constant 0 : i32
        %dma_start3A_58 = tpu.memref_slice %arg6[%dma_start3A_56, %dma_start3A_57] : memref<10000x128xf32, #tpu.memory_space<vmem_shared>> -> memref<16x128xf32, #tpu.memory_space<vmem_shared>>
        %dma_start3A_59 = arith.constant 9984 : i32
        %dma_start3A_60 = tpu.memref_slice %arg4[%dma_start3A_59, %mul3A_55] : memref<10000x256xf32, #tpu.memory_space<hbm>> -> memref<16x128xf32, #tpu.memory_space<hbm>>
        tpu.enqueue_dma source(%dma_start3A_60 : memref<16x128xf32, #tpu.memory_space<hbm>>) target(%dma_start3A_58 : memref<16x128xf32, #tpu.memory_space<vmem_shared>>) target_semaphore(%run_scoped3A : memref<!tpu.dma_semaphore, #tpu.memory_space<semaphore_mem>>)
        %dma_wait3A = arith.constant 9984 : i32
        %dma_wait3A_61 = arith.constant 0 : i32
        %dma_wait3A_62 = tpu.memref_slice %arg6[%dma_wait3A, %dma_wait3A_61] : memref<10000x128xf32, #tpu.memory_space<vmem_shared>> -> memref<16x128xf32, #tpu.memory_space<vmem_shared>>
        %dma_wait3A_63 = arith.constant 9984 : i32
        %dma_wait3A_64 = tpu.memref_slice %arg4[%dma_wait3A_63, %mul3A_55] : memref<10000x256xf32, #tpu.memory_space<hbm>> -> memref<16x128xf32, #tpu.memory_space<hbm>>
        tpu.wait_dma2 semaphore(%run_scoped3A : memref<!tpu.dma_semaphore, #tpu.memory_space<semaphore_mem>>) src(%dma_wait3A_64 : memref<16x128xf32, #tpu.memory_space<hbm>>) dst(%dma_wait3A_62 : memref<16x128xf32, #tpu.memory_space<vmem_shared>>)
        tpu.yield
      }) : () -> ()
    } else {
    }
    %barrier3A = arith.constant 0 : index
    tpu.barrier barrier_id(%barrier3A)
    %mul3A_5 = arith.constant 125 : i32
    %mul3A_6 = arith.muli %arg1, %mul3A_5 : i32
    %add3A = arith.constant 0 : i32
    %add3A_7 = arith.addi %mul3A_6, %add3A : i32
    %mul3A_8 = arith.constant 40 : i32
    %mul3A_9 = arith.muli %add3A_7, %mul3A_8 : i32
    %mul3A_10 = arith.constant 128 : i32
    %mul3A_11 = arith.muli %arg0, %mul3A_10 : i32
    %dma_start3A = tpu.memref_slice %arg2[%mul3A_9, %mul3A_11] : memref<80000x256xf32, #tpu.memory_space<hbm>> -> memref<40x128xf32, #tpu.memory_space<hbm>>
    %dma_start3A_12 = tpu.memref_slice %arg2[%mul3A_9, %mul3A_11] : memref<80000x256xf32, #tpu.memory_space<hbm>> -> memref<40x128xf32, #tpu.memory_space<hbm>>
    tpu.enqueue_dma source(%dma_start3A_12 : memref<40x128xf32, #tpu.memory_space<hbm>>) target(%arg7 : memref<40x128xf32, #tpu.memory_space<vmem>>) target_semaphore(%arg11 : memref<!tpu.dma_semaphore, #tpu.memory_space<semaphore_mem>>)
    %add3A_13 = arith.constant 0 : i32
    %add3A_14 = arith.addi %mul3A_6, %add3A_13 : i32
    %dma_start3A_15 = arith.constant 0 : i32
    %dma_start3A_16 = arith.constant 0 : i32
    %dma_start3A_17 = tpu.memref_slice %arg3[%add3A_14, %dma_start3A_15, %dma_start3A_16] : memref<2000x1x40xi32, #tpu.memory_space<hbm>> -> memref<1x1x40xi32, #tpu.memory_space<hbm>>
    %dma_start3A_18 = tpu.memref_squeeze %dma_start3A_17 : memref<1x1x40xi32, #tpu.memory_space<hbm>> -> memref<1x40xi32, #tpu.memory_space<hbm>>
    %dma_start3A_19 = arith.constant 0 : i32
    %dma_start3A_20 = arith.constant 0 : i32
    %dma_start3A_21 = tpu.memref_slice %arg3[%add3A_14, %dma_start3A_19, %dma_start3A_20] : memref<2000x1x40xi32, #tpu.memory_space<hbm>> -> memref<1x1x40xi32, #tpu.memory_space<hbm>>
    %dma_start3A_22 = tpu.memref_squeeze %dma_start3A_21 : memref<1x1x40xi32, #tpu.memory_space<hbm>> -> memref<1x40xi32, #tpu.memory_space<hbm>>
    tpu.enqueue_dma source(%dma_start3A_22 : memref<1x40xi32, #tpu.memory_space<hbm>>) target(%arg9 : memref<1x40xi32, #tpu.memory_space<vmem>>) target_semaphore(%arg13 : memref<!tpu.dma_semaphore, #tpu.memory_space<semaphore_mem>>)
    %add3A_23 = arith.constant 1 : i32
    %add3A_24 = arith.addi %mul3A_6, %add3A_23 : i32
    %mul3A_25 = arith.constant 40 : i32
    %mul3A_26 = arith.muli %add3A_24, %mul3A_25 : i32
    %mul3A_27 = arith.constant 128 : i32
    %mul3A_28 = arith.muli %arg0, %mul3A_27 : i32
    %dma_start3A_29 = tpu.memref_slice %arg2[%mul3A_26, %mul3A_28] : memref<80000x256xf32, #tpu.memory_space<hbm>> -> memref<40x128xf32, #tpu.memory_space<hbm>>
    %dma_start3A_30 = tpu.memref_slice %arg2[%mul3A_26, %mul3A_28] : memref<80000x256xf32, #tpu.memory_space<hbm>> -> memref<40x128xf32, #tpu.memory_space<hbm>>
    tpu.enqueue_dma source(%dma_start3A_30 : memref<40x128xf32, #tpu.memory_space<hbm>>) target(%arg8 : memref<40x128xf32, #tpu.memory_space<vmem>>) target_semaphore(%arg12 : memref<!tpu.dma_semaphore, #tpu.memory_space<semaphore_mem>>)
    %add3A_31 = arith.constant 1 : i32
    %add3A_32 = arith.addi %mul3A_6, %add3A_31 : i32
    %dma_start3A_33 = arith.constant 0 : i32
    %dma_start3A_34 = arith.constant 0 : i32
    %dma_start3A_35 = tpu.memref_slice %arg3[%add3A_32, %dma_start3A_33, %dma_start3A_34] : memref<2000x1x40xi32, #tpu.memory_space<hbm>> -> memref<1x1x40xi32, #tpu.memory_space<hbm>>
    %dma_start3A_36 = tpu.memref_squeeze %dma_start3A_35 : memref<1x1x40xi32, #tpu.memory_space<hbm>> -> memref<1x40xi32, #tpu.memory_space<hbm>>
    %dma_start3A_37 = arith.constant 0 : i32
    %dma_start3A_38 = arith.constant 0 : i32
    %dma_start3A_39 = tpu.memref_slice %arg3[%add3A_32, %dma_start3A_37, %dma_start3A_38] : memref<2000x1x40xi32, #tpu.memory_space<hbm>> -> memref<1x1x40xi32, #tpu.memory_space<hbm>>
    %dma_start3A_40 = tpu.memref_squeeze %dma_start3A_39 : memref<1x1x40xi32, #tpu.memory_space<hbm>> -> memref<1x40xi32, #tpu.memory_space<hbm>>
    tpu.enqueue_dma source(%dma_start3A_40 : memref<1x40xi32, #tpu.memory_space<hbm>>) target(%arg10 : memref<1x40xi32, #tpu.memory_space<vmem>>) target_semaphore(%arg14 : memref<!tpu.dma_semaphore, #tpu.memory_space<semaphore_mem>>)
    %scan3A = arith.constant 0 : i32
    %scan3A_41 = arith.constant 0 : i32
    %scan3A_42 = arith.constant 125 : i32
    %scan3A_43 = arith.addi %scan3A_41, %scan3A_42 : i32
    %scan3A_44 = arith.constant 1 : i32
    scf.for %scan3A_54 = %scan3A_41 to %scan3A_43 step %scan3A_44  : i32 {
      %jit3A = arith.constant 2 : i32
      %eq3A_55 = arith.constant 0 : i32
      %eq3A_56 = arith.cmpi eq, %jit3A, %eq3A_55 : i32
      %jit3A_57 = arith.constant 1 : i32
      %select_n3A = arith.select %eq3A_56, %jit3A_57, %jit3A : i32
      %rem3A = arith.remsi %scan3A_54, %select_n3A : i32
      %ne3A = arith.constant 0 : i32
      %ne3A_58 = arith.cmpi ne, %rem3A, %ne3A : i32
      %lt3A = arith.constant 0 : i32
      %lt3A_59 = arith.cmpi slt, %rem3A, %lt3A : i32
      %lt3A_60 = arith.constant 0 : i32
      %lt3A_61 = arith.cmpi slt, %select_n3A, %lt3A_60 : i32
      %ne3A_62 = arith.xori %lt3A_59, %lt3A_61 : i1
      %and3A = arith.andi %ne3A_62, %ne3A_58 : i1
      %add3A_63 = arith.addi %rem3A, %select_n3A : i32
      %select_n3A_64 = arith.select %and3A, %add3A_63, %rem3A : i32
      %eq3A_65 = arith.constant 0 : i32
      %eq3A_66 = arith.cmpi eq, %select_n3A_64, %eq3A_65 : i32
      %convert_element_type3A_67 = arith.extui %eq3A_66 : i1 to i32
      %cond3A_68 = arith.constant 0 : i32
      %cond3A_69 = arith.cmpi ne, %convert_element_type3A_67, %cond3A_68 : i32
      scf.if %cond3A_69 {
        %add3A_91 = arith.addi %mul3A_6, %scan3A_54 : i32
        %mul3A_92 = arith.constant 40 : i32
        %mul3A_93 = arith.muli %add3A_91, %mul3A_92 : i32
        %mul3A_94 = arith.constant 128 : i32
        %mul3A_95 = arith.muli %arg0, %mul3A_94 : i32
        %dma_wait3A = tpu.memref_slice %arg2[%mul3A_93, %mul3A_95] : memref<80000x256xf32, #tpu.memory_space<hbm>> -> memref<40x128xf32, #tpu.memory_space<hbm>>
        %dma_wait3A_96 = tpu.memref_slice %arg2[%mul3A_93, %mul3A_95] : memref<80000x256xf32, #tpu.memory_space<hbm>> -> memref<40x128xf32, #tpu.memory_space<hbm>>
        tpu.wait_dma2 semaphore(%arg11 : memref<!tpu.dma_semaphore, #tpu.memory_space<semaphore_mem>>) src(%dma_wait3A_96 : memref<40x128xf32, #tpu.memory_space<hbm>>) dst(%arg7 : memref<40x128xf32, #tpu.memory_space<vmem>>)
        %add3A_97 = arith.addi %mul3A_6, %scan3A_54 : i32
        %dma_wait3A_98 = arith.constant 0 : i32
        %dma_wait3A_99 = arith.constant 0 : i32
        %dma_wait3A_100 = tpu.memref_slice %arg3[%add3A_97, %dma_wait3A_98, %dma_wait3A_99] : memref<2000x1x40xi32, #tpu.memory_space<hbm>> -> memref<1x1x40xi32, #tpu.memory_space<hbm>>
        %dma_wait3A_101 = tpu.memref_squeeze %dma_wait3A_100 : memref<1x1x40xi32, #tpu.memory_space<hbm>> -> memref<1x40xi32, #tpu.memory_space<hbm>>
        %dma_wait3A_102 = arith.constant 0 : i32
        %dma_wait3A_103 = arith.constant 0 : i32
        %dma_wait3A_104 = tpu.memref_slice %arg3[%add3A_97, %dma_wait3A_102, %dma_wait3A_103] : memref<2000x1x40xi32, #tpu.memory_space<hbm>> -> memref<1x1x40xi32, #tpu.memory_space<hbm>>
        %dma_wait3A_105 = tpu.memref_squeeze %dma_wait3A_104 : memref<1x1x40xi32, #tpu.memory_space<hbm>> -> memref<1x40xi32, #tpu.memory_space<hbm>>
        tpu.wait_dma2 semaphore(%arg13 : memref<!tpu.dma_semaphore, #tpu.memory_space<semaphore_mem>>) src(%dma_wait3A_105 : memref<1x40xi32, #tpu.memory_space<hbm>>) dst(%arg9 : memref<1x40xi32, #tpu.memory_space<vmem>>)
        %run_scoped3A = arith.constant 0 : i32
        "tpu.region"() ({
          %run_scoped3A_113 = tpu.sem_alloc : memref<!tpu.dma_semaphore, #tpu.memory_space<semaphore_mem>>
          %dma_start3A_114 = arith.constant 0 : i32
          %dma_start3A_115 = tpu.memref_slice %arg9[%run_scoped3A, %dma_start3A_114] : memref<1x40xi32, #tpu.memory_space<vmem>> -> memref<1x40xi32, #tpu.memory_space<vmem>>
          %dma_start3A_116 = tpu.memref_squeeze %dma_start3A_115 : memref<1x40xi32, #tpu.memory_space<vmem>> -> memref<40xi32, #tpu.memory_space<vmem>>
          %dma_start3A_117 = arith.constant 0 : i32
          %dma_start3A_118 = arith.constant 0 : i32
          %dma_start3A_119 = tpu.memref_slice %arg6[%dma_start3A_117, %dma_start3A_118] : memref<10000x128xf32, #tpu.memory_space<vmem_shared>> -> memref<10000x128xf32, #tpu.memory_space<vmem_shared>>
          tpu.enqueue_indirect_dma source(%arg7 : memref<40x128xf32, #tpu.memory_space<vmem>>) target(%dma_start3A_119 : memref<10000x128xf32, #tpu.memory_space<vmem_shared>>) offsets(%dma_start3A_116 : memref<40xi32, #tpu.memory_space<vmem>>) semaphore(%run_scoped3A_113 : memref<!tpu.dma_semaphore, #tpu.memory_space<semaphore_mem>>) {add = true}
          %dma_wait3A_120 = arith.constant 0 : i32
          %dma_wait3A_121 = tpu.memref_slice %arg9[%run_scoped3A, %dma_wait3A_120] : memref<1x40xi32, #tpu.memory_space<vmem>> -> memref<1x40xi32, #tpu.memory_space<vmem>>
          %dma_wait3A_122 = tpu.memref_squeeze %dma_wait3A_121 : memref<1x40xi32, #tpu.memory_space<vmem>> -> memref<40xi32, #tpu.memory_space<vmem>>
          %dma_wait3A_123 = arith.constant 0 : i32
          %dma_wait3A_124 = arith.constant 0 : i32
          %dma_wait3A_125 = tpu.memref_slice %arg6[%dma_wait3A_123, %dma_wait3A_124] : memref<10000x128xf32, #tpu.memory_space<vmem_shared>> -> memref<10000x128xf32, #tpu.memory_space<vmem_shared>>
          tpu.wait_indirect_dma semaphore(%run_scoped3A_113 : memref<!tpu.dma_semaphore, #tpu.memory_space<semaphore_mem>>) src(%arg7 : memref<40x128xf32, #tpu.memory_space<vmem>>) dst(%dma_wait3A_125 : memref<10000x128xf32, #tpu.memory_space<vmem_shared>>)
          tpu.yield
        }) : () -> ()
        %add3A_106 = arith.constant 2 : i32
        %add3A_107 = arith.addi %scan3A_54, %add3A_106 : i32
        %lt3A_108 = arith.constant 125 : i32
        %lt3A_109 = arith.cmpi slt, %add3A_107, %lt3A_108 : i32
        %convert_element_type3A_110 = arith.extui %lt3A_109 : i1 to i32
        %cond3A_111 = arith.constant 0 : i32
        %cond3A_112 = arith.cmpi ne, %convert_element_type3A_110, %cond3A_111 : i32
        scf.if %cond3A_112 {
          %add3A_113 = arith.constant 2 : i32
          %add3A_114 = arith.addi %scan3A_54, %add3A_113 : i32
          %add3A_115 = arith.addi %mul3A_6, %add3A_114 : i32
          %mul3A_116 = arith.constant 40 : i32
          %mul3A_117 = arith.muli %add3A_115, %mul3A_116 : i32
          %mul3A_118 = arith.constant 128 : i32
          %mul3A_119 = arith.muli %arg0, %mul3A_118 : i32
          %dma_start3A_120 = tpu.memref_slice %arg2[%mul3A_117, %mul3A_119] : memref<80000x256xf32, #tpu.memory_space<hbm>> -> memref<40x128xf32, #tpu.memory_space<hbm>>
          %dma_start3A_121 = tpu.memref_slice %arg2[%mul3A_117, %mul3A_119] : memref<80000x256xf32, #tpu.memory_space<hbm>> -> memref<40x128xf32, #tpu.memory_space<hbm>>
          tpu.enqueue_dma source(%dma_start3A_121 : memref<40x128xf32, #tpu.memory_space<hbm>>) target(%arg7 : memref<40x128xf32, #tpu.memory_space<vmem>>) target_semaphore(%arg11 : memref<!tpu.dma_semaphore, #tpu.memory_space<semaphore_mem>>)
          %add3A_122 = arith.addi %mul3A_6, %add3A_114 : i32
          %dma_start3A_123 = arith.constant 0 : i32
          %dma_start3A_124 = arith.constant 0 : i32
          %dma_start3A_125 = tpu.memref_slice %arg3[%add3A_122, %dma_start3A_123, %dma_start3A_124] : memref<2000x1x40xi32, #tpu.memory_space<hbm>> -> memref<1x1x40xi32, #tpu.memory_space<hbm>>
          %dma_start3A_126 = tpu.memref_squeeze %dma_start3A_125 : memref<1x1x40xi32, #tpu.memory_space<hbm>> -> memref<1x40xi32, #tpu.memory_space<hbm>>
          %dma_start3A_127 = arith.constant 0 : i32
          %dma_start3A_128 = arith.constant 0 : i32
          %dma_start3A_129 = tpu.memref_slice %arg3[%add3A_122, %dma_start3A_127, %dma_start3A_128] : memref<2000x1x40xi32, #tpu.memory_space<hbm>> -> memref<1x1x40xi32, #tpu.memory_space<hbm>>
          %dma_start3A_130 = tpu.memref_squeeze %dma_start3A_129 : memref<1x1x40xi32, #tpu.memory_space<hbm>> -> memref<1x40xi32, #tpu.memory_space<hbm>>
          tpu.enqueue_dma source(%dma_start3A_130 : memref<1x40xi32, #tpu.memory_space<hbm>>) target(%arg9 : memref<1x40xi32, #tpu.memory_space<vmem>>) target_semaphore(%arg13 : memref<!tpu.dma_semaphore, #tpu.memory_space<semaphore_mem>>)
        } else {
        }
      } else {
      }
      %jit3A_70 = arith.constant 2 : i32
      %eq3A_71 = arith.constant 0 : i32
      %eq3A_72 = arith.cmpi eq, %jit3A_70, %eq3A_71 : i32
      %jit3A_73 = arith.constant 1 : i32
      %select_n3A_74 = arith.select %eq3A_72, %jit3A_73, %jit3A_70 : i32
      %rem3A_75 = arith.remsi %scan3A_54, %select_n3A_74 : i32
      %ne3A_76 = arith.constant 0 : i32
      %ne3A_77 = arith.cmpi ne, %rem3A_75, %ne3A_76 : i32
      %lt3A_78 = arith.constant 0 : i32
      %lt3A_79 = arith.cmpi slt, %rem3A_75, %lt3A_78 : i32
      %lt3A_80 = arith.constant 0 : i32
      %lt3A_81 = arith.cmpi slt, %select_n3A_74, %lt3A_80 : i32
      %ne3A_82 = arith.xori %lt3A_79, %lt3A_81 : i1
      %and3A_83 = arith.andi %ne3A_82, %ne3A_77 : i1
      %add3A_84 = arith.addi %rem3A_75, %select_n3A_74 : i32
      %select_n3A_85 = arith.select %and3A_83, %add3A_84, %rem3A_75 : i32
      %eq3A_86 = arith.constant 1 : i32
      %eq3A_87 = arith.cmpi eq, %select_n3A_85, %eq3A_86 : i32
      %convert_element_type3A_88 = arith.extui %eq3A_87 : i1 to i32
      %cond3A_89 = arith.constant 0 : i32
      %cond3A_90 = arith.cmpi ne, %convert_element_type3A_88, %cond3A_89 : i32
      scf.if %cond3A_90 {
        %add3A_91 = arith.addi %mul3A_6, %scan3A_54 : i32
        %mul3A_92 = arith.constant 40 : i32
        %mul3A_93 = arith.muli %add3A_91, %mul3A_92 : i32
        %mul3A_94 = arith.constant 128 : i32
        %mul3A_95 = arith.muli %arg0, %mul3A_94 : i32
        %dma_wait3A = tpu.memref_slice %arg2[%mul3A_93, %mul3A_95] : memref<80000x256xf32, #tpu.memory_space<hbm>> -> memref<40x128xf32, #tpu.memory_space<hbm>>
        %dma_wait3A_96 = tpu.memref_slice %arg2[%mul3A_93, %mul3A_95] : memref<80000x256xf32, #tpu.memory_space<hbm>> -> memref<40x128xf32, #tpu.memory_space<hbm>>
        tpu.wait_dma2 semaphore(%arg12 : memref<!tpu.dma_semaphore, #tpu.memory_space<semaphore_mem>>) src(%dma_wait3A_96 : memref<40x128xf32, #tpu.memory_space<hbm>>) dst(%arg8 : memref<40x128xf32, #tpu.memory_space<vmem>>)
        %add3A_97 = arith.addi %mul3A_6, %scan3A_54 : i32
        %dma_wait3A_98 = arith.constant 0 : i32
        %dma_wait3A_99 = arith.constant 0 : i32
        %dma_wait3A_100 = tpu.memref_slice %arg3[%add3A_97, %dma_wait3A_98, %dma_wait3A_99] : memref<2000x1x40xi32, #tpu.memory_space<hbm>> -> memref<1x1x40xi32, #tpu.memory_space<hbm>>
        %dma_wait3A_101 = tpu.memref_squeeze %dma_wait3A_100 : memref<1x1x40xi32, #tpu.memory_space<hbm>> -> memref<1x40xi32, #tpu.memory_space<hbm>>
        %dma_wait3A_102 = arith.constant 0 : i32
        %dma_wait3A_103 = arith.constant 0 : i32
        %dma_wait3A_104 = tpu.memref_slice %arg3[%add3A_97, %dma_wait3A_102, %dma_wait3A_103] : memref<2000x1x40xi32, #tpu.memory_space<hbm>> -> memref<1x1x40xi32, #tpu.memory_space<hbm>>
        %dma_wait3A_105 = tpu.memref_squeeze %dma_wait3A_104 : memref<1x1x40xi32, #tpu.memory_space<hbm>> -> memref<1x40xi32, #tpu.memory_space<hbm>>
        tpu.wait_dma2 semaphore(%arg14 : memref<!tpu.dma_semaphore, #tpu.memory_space<semaphore_mem>>) src(%dma_wait3A_105 : memref<1x40xi32, #tpu.memory_space<hbm>>) dst(%arg10 : memref<1x40xi32, #tpu.memory_space<vmem>>)
        %run_scoped3A = arith.constant 0 : i32
        "tpu.region"() ({
          %run_scoped3A_113 = tpu.sem_alloc : memref<!tpu.dma_semaphore, #tpu.memory_space<semaphore_mem>>
          %dma_start3A_114 = arith.constant 0 : i32
          %dma_start3A_115 = tpu.memref_slice %arg10[%run_scoped3A, %dma_start3A_114] : memref<1x40xi32, #tpu.memory_space<vmem>> -> memref<1x40xi32, #tpu.memory_space<vmem>>
          %dma_start3A_116 = tpu.memref_squeeze %dma_start3A_115 : memref<1x40xi32, #tpu.memory_space<vmem>> -> memref<40xi32, #tpu.memory_space<vmem>>
          %dma_start3A_117 = arith.constant 0 : i32
          %dma_start3A_118 = arith.constant 0 : i32
          %dma_start3A_119 = tpu.memref_slice %arg6[%dma_start3A_117, %dma_start3A_118] : memref<10000x128xf32, #tpu.memory_space<vmem_shared>> -> memref<10000x128xf32, #tpu.memory_space<vmem_shared>>
          tpu.enqueue_indirect_dma source(%arg8 : memref<40x128xf32, #tpu.memory_space<vmem>>) target(%dma_start3A_119 : memref<10000x128xf32, #tpu.memory_space<vmem_shared>>) offsets(%dma_start3A_116 : memref<40xi32, #tpu.memory_space<vmem>>) semaphore(%run_scoped3A_113 : memref<!tpu.dma_semaphore, #tpu.memory_space<semaphore_mem>>) {add = true}
          %dma_wait3A_120 = arith.constant 0 : i32
          %dma_wait3A_121 = tpu.memref_slice %arg10[%run_scoped3A, %dma_wait3A_120] : memref<1x40xi32, #tpu.memory_space<vmem>> -> memref<1x40xi32, #tpu.memory_space<vmem>>
          %dma_wait3A_122 = tpu.memref_squeeze %dma_wait3A_121 : memref<1x40xi32, #tpu.memory_space<vmem>> -> memref<40xi32, #tpu.memory_space<vmem>>
          %dma_wait3A_123 = arith.constant 0 : i32
          %dma_wait3A_124 = arith.constant 0 : i32
          %dma_wait3A_125 = tpu.memref_slice %arg6[%dma_wait3A_123, %dma_wait3A_124] : memref<10000x128xf32, #tpu.memory_space<vmem_shared>> -> memref<10000x128xf32, #tpu.memory_space<vmem_shared>>
          tpu.wait_indirect_dma semaphore(%run_scoped3A_113 : memref<!tpu.dma_semaphore, #tpu.memory_space<semaphore_mem>>) src(%arg8 : memref<40x128xf32, #tpu.memory_space<vmem>>) dst(%dma_wait3A_125 : memref<10000x128xf32, #tpu.memory_space<vmem_shared>>)
          tpu.yield
        }) : () -> ()
        %add3A_106 = arith.constant 2 : i32
        %add3A_107 = arith.addi %scan3A_54, %add3A_106 : i32
        %lt3A_108 = arith.constant 125 : i32
        %lt3A_109 = arith.cmpi slt, %add3A_107, %lt3A_108 : i32
        %convert_element_type3A_110 = arith.extui %lt3A_109 : i1 to i32
        %cond3A_111 = arith.constant 0 : i32
        %cond3A_112 = arith.cmpi ne, %convert_element_type3A_110, %cond3A_111 : i32
        scf.if %cond3A_112 {
          %add3A_113 = arith.constant 2 : i32
          %add3A_114 = arith.addi %scan3A_54, %add3A_113 : i32
          %add3A_115 = arith.addi %mul3A_6, %add3A_114 : i32
          %mul3A_116 = arith.constant 40 : i32
          %mul3A_117 = arith.muli %add3A_115, %mul3A_116 : i32
          %mul3A_118 = arith.constant 128 : i32
          %mul3A_119 = arith.muli %arg0, %mul3A_118 : i32
          %dma_start3A_120 = tpu.memref_slice %arg2[%mul3A_117, %mul3A_119] : memref<80000x256xf32, #tpu.memory_space<hbm>> -> memref<40x128xf32, #tpu.memory_space<hbm>>
          %dma_start3A_121 = tpu.memref_slice %arg2[%mul3A_117, %mul3A_119] : memref<80000x256xf32, #tpu.memory_space<hbm>> -> memref<40x128xf32, #tpu.memory_space<hbm>>
          tpu.enqueue_dma source(%dma_start3A_121 : memref<40x128xf32, #tpu.memory_space<hbm>>) target(%arg8 : memref<40x128xf32, #tpu.memory_space<vmem>>) target_semaphore(%arg12 : memref<!tpu.dma_semaphore, #tpu.memory_space<semaphore_mem>>)
          %add3A_122 = arith.addi %mul3A_6, %add3A_114 : i32
          %dma_start3A_123 = arith.constant 0 : i32
          %dma_start3A_124 = arith.constant 0 : i32
          %dma_start3A_125 = tpu.memref_slice %arg3[%add3A_122, %dma_start3A_123, %dma_start3A_124] : memref<2000x1x40xi32, #tpu.memory_space<hbm>> -> memref<1x1x40xi32, #tpu.memory_space<hbm>>
          %dma_start3A_126 = tpu.memref_squeeze %dma_start3A_125 : memref<1x1x40xi32, #tpu.memory_space<hbm>> -> memref<1x40xi32, #tpu.memory_space<hbm>>
          %dma_start3A_127 = arith.constant 0 : i32
          %dma_start3A_128 = arith.constant 0 : i32
          %dma_start3A_129 = tpu.memref_slice %arg3[%add3A_122, %dma_start3A_127, %dma_start3A_128] : memref<2000x1x40xi32, #tpu.memory_space<hbm>> -> memref<1x1x40xi32, #tpu.memory_space<hbm>>
          %dma_start3A_130 = tpu.memref_squeeze %dma_start3A_129 : memref<1x1x40xi32, #tpu.memory_space<hbm>> -> memref<1x40xi32, #tpu.memory_space<hbm>>
          tpu.enqueue_dma source(%dma_start3A_130 : memref<1x40xi32, #tpu.memory_space<hbm>>) target(%arg10 : memref<1x40xi32, #tpu.memory_space<vmem>>) target_semaphore(%arg14 : memref<!tpu.dma_semaphore, #tpu.memory_space<semaphore_mem>>)
        } else {
        }
      } else {
      }
    }
    %scan3A_45 = arith.constant 125 : i32
    %barrier3A_46 = arith.constant 0 : index
    tpu.barrier barrier_id(%barrier3A_46)
    %mul3A_47 = arith.constant 128 : i32
    %mul3A_48 = arith.muli %arg0, %mul3A_47 : i32
    "tpu.region"() ({
      %run_scoped3A = tpu.sem_alloc : memref<!tpu.dma_semaphore, #tpu.memory_space<semaphore_mem>>
      %dma_start3A_54 = tpu.memref_slice %arg5[%mul3A_0, %mul3A_48] : memref<10000x256xf32, #tpu.memory_space<hbm>> -> memref<624x128xf32, #tpu.memory_space<hbm>>
      %dma_start3A_55 = arith.constant 0 : i32
      %dma_start3A_56 = tpu.memref_slice %arg6[%mul3A_0, %dma_start3A_55] : memref<10000x128xf32, #tpu.memory_space<vmem_shared>> -> memref<624x128xf32, #tpu.memory_space<vmem_shared>>
      tpu.enqueue_dma source(%dma_start3A_56 : memref<624x128xf32, #tpu.memory_space<vmem_shared>>) target(%dma_start3A_54 : memref<624x128xf32, #tpu.memory_space<hbm>>) target_semaphore(%run_scoped3A : memref<!tpu.dma_semaphore, #tpu.memory_space<semaphore_mem>>)
      %dma_wait3A = tpu.memref_slice %arg5[%mul3A_0, %mul3A_48] : memref<10000x256xf32, #tpu.memory_space<hbm>> -> memref<624x128xf32, #tpu.memory_space<hbm>>
      %dma_wait3A_57 = arith.constant 0 : i32
      %dma_wait3A_58 = tpu.memref_slice %arg6[%mul3A_0, %dma_wait3A_57] : memref<10000x128xf32, #tpu.memory_space<vmem_shared>> -> memref<624x128xf32, #tpu.memory_space<vmem_shared>>
      tpu.wait_dma2 semaphore(%run_scoped3A : memref<!tpu.dma_semaphore, #tpu.memory_space<semaphore_mem>>) src(%dma_wait3A_58 : memref<624x128xf32, #tpu.memory_space<vmem_shared>>) dst(%dma_wait3A : memref<624x128xf32, #tpu.memory_space<hbm>>)
      tpu.yield
    }) : () -> ()
    %eq3A_49 = arith.constant 15 : i32
    %eq3A_50 = arith.cmpi eq, %arg1, %eq3A_49 : i32
    %convert_element_type3A_51 = arith.extui %eq3A_50 : i1 to i32
    %cond3A_52 = arith.constant 0 : i32
    %cond3A_53 = arith.cmpi ne, %convert_element_type3A_51, %cond3A_52 : i32
    scf.if %cond3A_53 {
      %mul3A_54 = arith.constant 128 : i32
      %mul3A_55 = arith.muli %arg0, %mul3A_54 : i32
      "tpu.region"() ({
        %run_scoped3A = tpu.sem_alloc : memref<!tpu.dma_semaphore, #tpu.memory_space<semaphore_mem>>
        %dma_start3A_56 = arith.constant 9984 : i32
        %dma_start3A_57 = tpu.memref_slice %arg5[%dma_start3A_56, %mul3A_55] : memref<10000x256xf32, #tpu.memory_space<hbm>> -> memref<16x128xf32, #tpu.memory_space<hbm>>
        %dma_start3A_58 = arith.constant 9984 : i32
        %dma_start3A_59 = arith.constant 0 : i32
        %dma_start3A_60 = tpu.memref_slice %arg6[%dma_start3A_58, %dma_start3A_59] : memref<10000x128xf32, #tpu.memory_space<vmem_shared>> -> memref<16x128xf32, #tpu.memory_space<vmem_shared>>
        tpu.enqueue_dma source(%dma_start3A_60 : memref<16x128xf32, #tpu.memory_space<vmem_shared>>) target(%dma_start3A_57 : memref<16x128xf32, #tpu.memory_space<hbm>>) target_semaphore(%run_scoped3A : memref<!tpu.dma_semaphore, #tpu.memory_space<semaphore_mem>>)
        %dma_wait3A = arith.constant 9984 : i32
        %dma_wait3A_61 = tpu.memref_slice %arg5[%dma_wait3A, %mul3A_55] : memref<10000x256xf32, #tpu.memory_space<hbm>> -> memref<16x128xf32, #tpu.memory_space<hbm>>
        %dma_wait3A_62 = arith.constant 9984 : i32
        %dma_wait3A_63 = arith.constant 0 : i32
        %dma_wait3A_64 = tpu.memref_slice %arg6[%dma_wait3A_62, %dma_wait3A_63] : memref<10000x128xf32, #tpu.memory_space<vmem_shared>> -> memref<16x128xf32, #tpu.memory_space<vmem_shared>>
        tpu.wait_dma2 semaphore(%run_scoped3A : memref<!tpu.dma_semaphore, #tpu.memory_space<semaphore_mem>>) src(%dma_wait3A_64 : memref<16x128xf32, #tpu.memory_space<vmem_shared>>) dst(%dma_wait3A_61 : memref<16x128xf32, #tpu.memory_space<hbm>>)
        tpu.yield
      }) : () -> ()
    } else {
    }
    return
  }
}

module attributes {stable_mosaic.version = 14 : i64} {
  func.func @_mlp_body(%arg0: i32, %arg1: memref<100xi32, #tpu.memory_space<smem>>, %arg2: memref<1600x512xf32, #tpu.memory_space<vmem>>, %arg3: memref<1600x1xf32, #tpu.memory_space<vmem>>, %arg4: memref<1x1x1600xi32, #tpu.memory_space<vmem>>, %arg5: memref<512x512xf32, #tpu.memory_space<vmem>>, %arg6: memref<1x512xf32, #tpu.memory_space<vmem>>, %arg7: memref<1x512xf32, #tpu.memory_space<vmem>>, %arg8: memref<512x256xf32, #tpu.memory_space<vmem>>, %arg9: memref<1x256xf32, #tpu.memory_space<vmem>>, %arg10: memref<1600x256xf32, #tpu.memory_space<vmem>>, %arg11: memref<10000x1xf32, #tpu.memory_space<vmem>>, %arg12: memref<10192x1xf32, #tpu.memory_space<vmem>>) attributes {dimension_semantics = [#tpu.dimension_semantics<arbitrary>], iteration_bounds = array<i64: 50>, scalar_prefetch = 1 : i64, scratch_operands = 1 : i64, tpu.core_type = #tpu.core_type<tc>, window_params = [{transform_indices = @transform_0, window_bounds = array<i64: 1600, 512>}, {transform_indices = @transform_1, window_bounds = array<i64: 1600, 1>}, {transform_indices = @transform_2, window_bounds = array<i64: 1, 1, 1600>}, {pipeline_mode = #tpu.pipeline_mode<synchronous>, transform_indices = @transform_3, window_bounds = array<i64: 512, 512>}, {pipeline_mode = #tpu.pipeline_mode<synchronous>, transform_indices = @transform_4, window_bounds = array<i64: 1, 512>}, {pipeline_mode = #tpu.pipeline_mode<synchronous>, transform_indices = @transform_5, window_bounds = array<i64: 1, 512>}, {pipeline_mode = #tpu.pipeline_mode<synchronous>, transform_indices = @transform_6, window_bounds = array<i64: 512, 256>}, {pipeline_mode = #tpu.pipeline_mode<synchronous>, transform_indices = @transform_7, window_bounds = array<i64: 1, 256>}, {transform_indices = @transform_8, window_bounds = array<i64: 1600, 256>}, {pipeline_mode = #tpu.pipeline_mode<synchronous>, transform_indices = @transform_9, window_bounds = array<i64: 10000, 1>}]} {
    %eq3A = arith.constant 0 : i32
    %eq3A_0 = arith.cmpi eq, %arg0, %eq3A : i32
    %convert_element_type3A = arith.extui %eq3A_0 : i1 to i32
    %cond3A = arith.constant 0 : i32
    %cond3A_1 = arith.cmpi ne, %convert_element_type3A, %cond3A : i32
    scf.if %cond3A_1 {
      %broadcast_in_dim3A_66 = arith.constant 0.000000e+00 : f32
      %broadcast_in_dim3A_67 = vector.broadcast %broadcast_in_dim3A_66 : f32 to vector<10192x1xf32>
      %swap3A_68 = arith.constant 0 : index
      %swap3A_69 = arith.constant 0 : index
      %swap3A_70 = vector.load %arg12[%swap3A_68, %swap3A_69] : memref<10192x1xf32, #tpu.memory_space<vmem>>, vector<10192x1xf32>
      tpu.vector_store %arg12[%swap3A_68, %swap3A_69], %broadcast_in_dim3A_67 {strides = array<i32>} : memref<10192x1xf32, #tpu.memory_space<vmem>>, vector<10192x1xf32>,
    } else {
    }
    %get3A = arith.constant 0 : index
    %get3A_2 = arith.constant 0 : index
    %get3A_3 = vector.load %arg2[%get3A, %get3A_2] : memref<1600x512xf32, #tpu.memory_space<vmem>>, vector<1600x512xf32>
    %get3A_4 = arith.constant 0 : index
    %get3A_5 = arith.constant 0 : index
    %get3A_6 = vector.load %arg5[%get3A_4, %get3A_5] : memref<512x512xf32, #tpu.memory_space<vmem>>, vector<512x512xf32>
    %dot_general3A = arith.constant dense<0.000000e+00> : vector<1600x512xf32>
    %dot_general3A_7 = tpu.matmul %get3A_3, %get3A_6, %dot_general3A {dimension_numbers = #tpu.dot_dimension_numbers<[1], [0], [0], [1], [0, 0, 1, 1], [], []>, transpose_lhs_hint = false} : vector<1600x512xf32>, vector<512x512xf32>, vector<1600x512xf32> -> vector<1600x512xf32>
    %get3A_8 = arith.constant 0 : index
    %get3A_9 = arith.constant 0 : index
    %get3A_10 = vector.load %arg3[%get3A_8, %get3A_9] : memref<1600x1xf32, #tpu.memory_space<vmem>>, vector<1600x1xf32>
    %get3A_11 = arith.constant 0 : index
    %get3A_12 = arith.constant 0 : index
    %get3A_13 = vector.load %arg6[%get3A_11, %get3A_12] : memref<1x512xf32, #tpu.memory_space<vmem>>, vector<1x512xf32>
    %mul3A = vector.broadcast %get3A_10 : vector<1600x1xf32> to vector<1600x512xf32>
    %mul3A_14 = vector.broadcast %get3A_13 : vector<1x512xf32> to vector<1600x512xf32>
    %mul3A_15 = arith.mulf %mul3A, %mul3A_14 : vector<1600x512xf32>
    %add3A = arith.addf %dot_general3A_7, %mul3A_15 : vector<1600x512xf32>
    %get3A_16 = arith.constant 0 : index
    %get3A_17 = arith.constant 0 : index
    %get3A_18 = vector.load %arg7[%get3A_16, %get3A_17] : memref<1x512xf32, #tpu.memory_space<vmem>>, vector<1x512xf32>
    %add3A_19 = vector.broadcast %get3A_18 : vector<1x512xf32> to vector<1600x512xf32>
    %add3A_20 = arith.addf %add3A, %add3A_19 : vector<1600x512xf32>
    %max3A = arith.constant 0.000000e+00 : f32
    %max3A_21 = vector.broadcast %max3A : f32 to vector<1600x512xf32>
    %max3A_22 = arith.maximumf %add3A_20, %max3A_21 : vector<1600x512xf32>
    %get3A_23 = arith.constant 0 : index
    %get3A_24 = arith.constant 0 : index
    %get3A_25 = vector.load %arg8[%get3A_23, %get3A_24] : memref<512x256xf32, #tpu.memory_space<vmem>>, vector<512x256xf32>
    %dot_general3A_26 = arith.constant dense<0.000000e+00> : vector<1600x256xf32>
    %dot_general3A_27 = tpu.matmul %max3A_22, %get3A_25, %dot_general3A_26 {dimension_numbers = #tpu.dot_dimension_numbers<[1], [0], [0], [1], [0, 0, 1, 1], [], []>, transpose_lhs_hint = false} : vector<1600x512xf32>, vector<512x256xf32>, vector<1600x256xf32> -> vector<1600x256xf32>
    %get3A_28 = arith.constant 0 : index
    %get3A_29 = arith.constant 0 : index
    %get3A_30 = vector.load %arg9[%get3A_28, %get3A_29] : memref<1x256xf32, #tpu.memory_space<vmem>>, vector<1x256xf32>
    %add3A_31 = vector.broadcast %get3A_30 : vector<1x256xf32> to vector<1600x256xf32>
    %add3A_32 = arith.addf %dot_general3A_27, %add3A_31 : vector<1600x256xf32>
    %max3A_33 = arith.constant 0.000000e+00 : f32
    %max3A_34 = vector.broadcast %max3A_33 : f32 to vector<1600x256xf32>
    %max3A_35 = arith.maximumf %add3A_32, %max3A_34 : vector<1600x256xf32>
    %swap3A = arith.constant 0 : index
    %swap3A_36 = arith.constant 0 : index
    %swap3A_37 = vector.load %arg10[%swap3A, %swap3A_36] : memref<1600x256xf32, #tpu.memory_space<vmem>>, vector<1600x256xf32>
    tpu.vector_store %arg10[%swap3A, %swap3A_36], %max3A_35 {strides = array<i32>} : memref<1600x256xf32, #tpu.memory_space<vmem>>, vector<1600x256xf32>,
    %add3A_38 = arith.constant 0 : i32
    %add3A_39 = arith.addi %add3A_38, %arg0 : i32
    %get3A_40 = arith.index_cast %add3A_39 : i32 to index
    %get3A_41 = memref.load %arg1[%get3A_40] : memref<100xi32, #tpu.memory_space<smem>>
    %multiple_of3A = tpu.assume_multiple %get3A_41, 8 : i32
    %get3A_42 = arith.constant 0 : index
    %get3A_43 = arith.constant 0 : index
    %get3A_44 = arith.constant 0 : index
    %get3A_45 = vector.load %arg4[%get3A_42, %get3A_43, %get3A_44] : memref<1x1x1600xi32, #tpu.memory_space<vmem>>, vector<1x1x1600xi32>
    %get3A_46 = vector.shape_cast %get3A_45 : vector<1x1x1600xi32> to vector<1x1600xi32>
    %sub3A = vector.broadcast %multiple_of3A : i32 to vector<1x1600xi32>
    %sub3A_47 = arith.subi %get3A_46, %sub3A : vector<1x1600xi32>
    %iota3A = tpu.iota {dimensions = array<i32: 0>} : vector<192x1600xi32>
    %broadcast_in_dim3A = vector.shape_cast %sub3A_47 : vector<1x1600xi32> to vector<1x1600xi32>
    %broadcast_in_dim3A_48 = vector.broadcast %broadcast_in_dim3A : vector<1x1600xi32> to vector<192x1600xi32>
    %eq3A_49 = arith.cmpi eq, %iota3A, %broadcast_in_dim3A_48 : vector<192x1600xi32>
    %convert_element_type3A_50 = arith.extui %eq3A_49 : vector<192x1600xi1> to vector<192x1600xi32>
    %convert_element_type3A_51 = arith.sitofp %convert_element_type3A_50 : vector<192x1600xi32> to vector<192x1600xf32>
    %get3A_52 = arith.index_cast %multiple_of3A : i32 to index
    %get3A_53 = arith.constant 0 : index
    %get3A_54 = vector.load %arg12[%get3A_52, %get3A_53] : memref<10192x1xf32, #tpu.memory_space<vmem>>, vector<192x1xf32>
    %reduce_sum3A = arith.constant dense<0.000000e+00> : vector<192xf32>
    %reduce_sum3A_55 = vector.multi_reduction <add>, %convert_element_type3A_51, %reduce_sum3A [1] : vector<192x1600xf32> to vector<192xf32>
    %broadcast_in_dim3A_56 = vector.shape_cast %reduce_sum3A_55 : vector<192xf32> to vector<192x1xf32>
    %add3A_57 = arith.addf %get3A_54, %broadcast_in_dim3A_56 : vector<192x1xf32>
    %swap3A_58 = arith.index_cast %multiple_of3A : i32 to index
    %swap3A_59 = arith.constant 0 : index
    %swap3A_60 = vector.load %arg12[%swap3A_58, %swap3A_59] : memref<10192x1xf32, #tpu.memory_space<vmem>>, vector<192x1xf32>
    tpu.vector_store %arg12[%swap3A_58, %swap3A_59], %add3A_57 {strides = array<i32>} : memref<10192x1xf32, #tpu.memory_space<vmem>>, vector<192x1xf32>,
    %eq3A_61 = arith.constant 49 : i32
    %eq3A_62 = arith.cmpi eq, %arg0, %eq3A_61 : i32
    %convert_element_type3A_63 = arith.extui %eq3A_62 : i1 to i32
    %cond3A_64 = arith.constant 0 : i32
    %cond3A_65 = arith.cmpi ne, %convert_element_type3A_63, %cond3A_64 : i32
    scf.if %cond3A_65 {
      %get3A_66 = arith.constant 0 : index
      %get3A_67 = arith.constant 0 : index
      %get3A_68 = vector.load %arg12[%get3A_66, %get3A_67] : memref<10192x1xf32, #tpu.memory_space<vmem>>, vector<10192x1xf32>
      %slice3A = vector.extract_strided_slice %get3A_68 {offsets = [0, 0], sizes = [10000, 1], strides = [1, 1]} : vector<10192x1xf32> to vector<10000x1xf32>
      %swap3A_69 = arith.constant 0 : index
      %swap3A_70 = arith.constant 0 : index
      %swap3A_71 = vector.load %arg11[%swap3A_69, %swap3A_70] : memref<10000x1xf32, #tpu.memory_space<vmem>>, vector<10000x1xf32>
      tpu.vector_store %arg11[%swap3A_69, %swap3A_70], %slice3A {strides = array<i32>} : memref<10000x1xf32, #tpu.memory_space<vmem>>, vector<10000x1xf32>,
    } else {
    }
    return
  }
  func.func @transform_0(%arg0: i32, %arg1: memref<100xi32, #tpu.memory_space<smem>>) -> (i32, i32) {
    %add3A = arith.constant 0 : i32
    %add3A_0 = arith.addi %add3A, %arg0 : i32
    %c0_i32 = arith.constant 0 : i32
    %c0_i32_1 = arith.constant 0 : i32
    return %add3A_0, %c0_i32 : i32, i32
  }
  func.func @transform_1(%arg0: i32, %arg1: memref<100xi32, #tpu.memory_space<smem>>) -> (i32, i32) {
    %add3A = arith.constant 0 : i32
    %add3A_0 = arith.addi %add3A, %arg0 : i32
    %c0_i32 = arith.constant 0 : i32
    %c0_i32_1 = arith.constant 0 : i32
    return %add3A_0, %c0_i32 : i32, i32
  }
  func.func @transform_2(%arg0: i32, %arg1: memref<100xi32, #tpu.memory_space<smem>>) -> (i32, i32, i32) {
    %add3A = arith.constant 0 : i32
    %add3A_0 = arith.addi %add3A, %arg0 : i32
    %c0_i32 = arith.constant 0 : i32
    %c0_i32_1 = arith.constant 0 : i32
    %c0_i32_2 = arith.constant 0 : i32
    return %add3A_0, %c0_i32, %c0_i32_1 : i32, i32, i32
  }
  func.func @transform_3(%arg0: i32, %arg1: memref<100xi32, #tpu.memory_space<smem>>) -> (i32, i32) {
    %c0_i32 = arith.constant 0 : i32
    %c0_i32_0 = arith.constant 0 : i32
    %c0_i32_1 = arith.constant 0 : i32
    return %c0_i32, %c0_i32_0 : i32, i32
  }
  func.func @transform_4(%arg0: i32, %arg1: memref<100xi32, #tpu.memory_space<smem>>) -> (i32, i32) {
    %c0_i32 = arith.constant 0 : i32
    %c0_i32_0 = arith.constant 0 : i32
    %c0_i32_1 = arith.constant 0 : i32
    return %c0_i32, %c0_i32_0 : i32, i32
  }
  func.func @transform_5(%arg0: i32, %arg1: memref<100xi32, #tpu.memory_space<smem>>) -> (i32, i32) {
    %c0_i32 = arith.constant 0 : i32
    %c0_i32_0 = arith.constant 0 : i32
    %c0_i32_1 = arith.constant 0 : i32
    return %c0_i32, %c0_i32_0 : i32, i32
  }
  func.func @transform_6(%arg0: i32, %arg1: memref<100xi32, #tpu.memory_space<smem>>) -> (i32, i32) {
    %c0_i32 = arith.constant 0 : i32
    %c0_i32_0 = arith.constant 0 : i32
    %c0_i32_1 = arith.constant 0 : i32
    return %c0_i32, %c0_i32_0 : i32, i32
  }
  func.func @transform_7(%arg0: i32, %arg1: memref<100xi32, #tpu.memory_space<smem>>) -> (i32, i32) {
    %c0_i32 = arith.constant 0 : i32
    %c0_i32_0 = arith.constant 0 : i32
    %c0_i32_1 = arith.constant 0 : i32
    return %c0_i32, %c0_i32_0 : i32, i32
  }
  func.func @transform_8(%arg0: i32, %arg1: memref<100xi32, #tpu.memory_space<smem>>) -> (i32, i32) {
    %c0_i32 = arith.constant 0 : i32
    %c0_i32_0 = arith.constant 0 : i32
    return %arg0, %c0_i32 : i32, i32
  }
  func.func @transform_9(%arg0: i32, %arg1: memref<100xi32, #tpu.memory_space<smem>>) -> (i32, i32) {
    %c0_i32 = arith.constant 0 : i32
    %c0_i32_0 = arith.constant 0 : i32
    %c0_i32_1 = arith.constant 0 : i32
    return %c0_i32, %c0_i32_0 : i32, i32
  }
}

module attributes {stable_mosaic.version = 14 : i64} {
  func.func @_mlp_body(%arg0: i32, %arg1: memref<100xi32, #tpu.memory_space<smem>>, %arg2: memref<1600x512xf32, #tpu.memory_space<vmem>>, %arg3: memref<1600x1xf32, #tpu.memory_space<vmem>>, %arg4: memref<1x1x1600xi32, #tpu.memory_space<vmem>>, %arg5: memref<512x512xf32, #tpu.memory_space<vmem>>, %arg6: memref<1x512xf32, #tpu.memory_space<vmem>>, %arg7: memref<1x512xf32, #tpu.memory_space<vmem>>, %arg8: memref<512x256xf32, #tpu.memory_space<vmem>>, %arg9: memref<1x256xf32, #tpu.memory_space<vmem>>, %arg10: memref<1600x256xf32, #tpu.memory_space<vmem>>, %arg11: memref<10000x1xf32, #tpu.memory_space<vmem>>, %arg12: memref<10192x1xf32, #tpu.memory_space<vmem>>) attributes {dimension_semantics = [#tpu.dimension_semantics<arbitrary>], iteration_bounds = array<i64: 50>, scalar_prefetch = 1 : i64, scratch_operands = 1 : i64, tpu.core_type = #tpu.core_type<tc>, window_params = [{transform_indices = @transform_0, window_bounds = array<i64: 1600, 512>}, {transform_indices = @transform_1, window_bounds = array<i64: 1600, 1>}, {transform_indices = @transform_2, window_bounds = array<i64: 1, 1, 1600>}, {pipeline_mode = #tpu.pipeline_mode<synchronous>, transform_indices = @transform_3, window_bounds = array<i64: 512, 512>}, {pipeline_mode = #tpu.pipeline_mode<synchronous>, transform_indices = @transform_4, window_bounds = array<i64: 1, 512>}, {pipeline_mode = #tpu.pipeline_mode<synchronous>, transform_indices = @transform_5, window_bounds = array<i64: 1, 512>}, {pipeline_mode = #tpu.pipeline_mode<synchronous>, transform_indices = @transform_6, window_bounds = array<i64: 512, 256>}, {pipeline_mode = #tpu.pipeline_mode<synchronous>, transform_indices = @transform_7, window_bounds = array<i64: 1, 256>}, {transform_indices = @transform_8, window_bounds = array<i64: 1600, 256>}, {pipeline_mode = #tpu.pipeline_mode<synchronous>, transform_indices = @transform_9, window_bounds = array<i64: 10000, 1>}]} {
    %eq3A = arith.constant 0 : i32
    %eq3A_0 = arith.cmpi eq, %arg0, %eq3A : i32
    %convert_element_type3A = arith.extui %eq3A_0 : i1 to i32
    %cond3A = arith.constant 0 : i32
    %cond3A_1 = arith.cmpi ne, %convert_element_type3A, %cond3A : i32
    scf.if %cond3A_1 {
      %broadcast_in_dim3A_66 = arith.constant 0.000000e+00 : f32
      %broadcast_in_dim3A_67 = vector.broadcast %broadcast_in_dim3A_66 : f32 to vector<10192x1xf32>
      %swap3A_68 = arith.constant 0 : index
      %swap3A_69 = arith.constant 0 : index
      %swap3A_70 = vector.load %arg12[%swap3A_68, %swap3A_69] : memref<10192x1xf32, #tpu.memory_space<vmem>>, vector<10192x1xf32>
      tpu.vector_store %arg12[%swap3A_68, %swap3A_69], %broadcast_in_dim3A_67 {strides = array<i32>} : memref<10192x1xf32, #tpu.memory_space<vmem>>, vector<10192x1xf32>,
    } else {
    }
    %get3A = arith.constant 0 : index
    %get3A_2 = arith.constant 0 : index
    %get3A_3 = vector.load %arg2[%get3A, %get3A_2] : memref<1600x512xf32, #tpu.memory_space<vmem>>, vector<1600x512xf32>
    %get3A_4 = arith.constant 0 : index
    %get3A_5 = arith.constant 0 : index
    %get3A_6 = vector.load %arg5[%get3A_4, %get3A_5] : memref<512x512xf32, #tpu.memory_space<vmem>>, vector<512x512xf32>
    %dot_general3A = arith.constant dense<0.000000e+00> : vector<1600x512xf32>
    %dot_general3A_7 = tpu.matmul %get3A_3, %get3A_6, %dot_general3A {dimension_numbers = #tpu.dot_dimension_numbers<[1], [0], [0], [1], [0, 0, 1, 1], [], []>, transpose_lhs_hint = false} : vector<1600x512xf32>, vector<512x512xf32>, vector<1600x512xf32> -> vector<1600x512xf32>
    %get3A_8 = arith.constant 0 : index
    %get3A_9 = arith.constant 0 : index
    %get3A_10 = vector.load %arg3[%get3A_8, %get3A_9] : memref<1600x1xf32, #tpu.memory_space<vmem>>, vector<1600x1xf32>
    %get3A_11 = arith.constant 0 : index
    %get3A_12 = arith.constant 0 : index
    %get3A_13 = vector.load %arg6[%get3A_11, %get3A_12] : memref<1x512xf32, #tpu.memory_space<vmem>>, vector<1x512xf32>
    %mul3A = vector.broadcast %get3A_10 : vector<1600x1xf32> to vector<1600x512xf32>
    %mul3A_14 = vector.broadcast %get3A_13 : vector<1x512xf32> to vector<1600x512xf32>
    %mul3A_15 = arith.mulf %mul3A, %mul3A_14 : vector<1600x512xf32>
    %add3A = arith.addf %dot_general3A_7, %mul3A_15 : vector<1600x512xf32>
    %get3A_16 = arith.constant 0 : index
    %get3A_17 = arith.constant 0 : index
    %get3A_18 = vector.load %arg7[%get3A_16, %get3A_17] : memref<1x512xf32, #tpu.memory_space<vmem>>, vector<1x512xf32>
    %add3A_19 = vector.broadcast %get3A_18 : vector<1x512xf32> to vector<1600x512xf32>
    %add3A_20 = arith.addf %add3A, %add3A_19 : vector<1600x512xf32>
    %max3A = arith.constant 0.000000e+00 : f32
    %max3A_21 = vector.broadcast %max3A : f32 to vector<1600x512xf32>
    %max3A_22 = arith.maximumf %add3A_20, %max3A_21 : vector<1600x512xf32>
    %get3A_23 = arith.constant 0 : index
    %get3A_24 = arith.constant 0 : index
    %get3A_25 = vector.load %arg8[%get3A_23, %get3A_24] : memref<512x256xf32, #tpu.memory_space<vmem>>, vector<512x256xf32>
    %dot_general3A_26 = arith.constant dense<0.000000e+00> : vector<1600x256xf32>
    %dot_general3A_27 = tpu.matmul %max3A_22, %get3A_25, %dot_general3A_26 {dimension_numbers = #tpu.dot_dimension_numbers<[1], [0], [0], [1], [0, 0, 1, 1], [], []>, transpose_lhs_hint = false} : vector<1600x512xf32>, vector<512x256xf32>, vector<1600x256xf32> -> vector<1600x256xf32>
    %get3A_28 = arith.constant 0 : index
    %get3A_29 = arith.constant 0 : index
    %get3A_30 = vector.load %arg9[%get3A_28, %get3A_29] : memref<1x256xf32, #tpu.memory_space<vmem>>, vector<1x256xf32>
    %add3A_31 = vector.broadcast %get3A_30 : vector<1x256xf32> to vector<1600x256xf32>
    %add3A_32 = arith.addf %dot_general3A_27, %add3A_31 : vector<1600x256xf32>
    %max3A_33 = arith.constant 0.000000e+00 : f32
    %max3A_34 = vector.broadcast %max3A_33 : f32 to vector<1600x256xf32>
    %max3A_35 = arith.maximumf %add3A_32, %max3A_34 : vector<1600x256xf32>
    %swap3A = arith.constant 0 : index
    %swap3A_36 = arith.constant 0 : index
    %swap3A_37 = vector.load %arg10[%swap3A, %swap3A_36] : memref<1600x256xf32, #tpu.memory_space<vmem>>, vector<1600x256xf32>
    tpu.vector_store %arg10[%swap3A, %swap3A_36], %max3A_35 {strides = array<i32>} : memref<1600x256xf32, #tpu.memory_space<vmem>>, vector<1600x256xf32>,
    %add3A_38 = arith.constant 50 : i32
    %add3A_39 = arith.addi %add3A_38, %arg0 : i32
    %get3A_40 = arith.index_cast %add3A_39 : i32 to index
    %get3A_41 = memref.load %arg1[%get3A_40] : memref<100xi32, #tpu.memory_space<smem>>
    %multiple_of3A = tpu.assume_multiple %get3A_41, 8 : i32
    %get3A_42 = arith.constant 0 : index
    %get3A_43 = arith.constant 0 : index
    %get3A_44 = arith.constant 0 : index
    %get3A_45 = vector.load %arg4[%get3A_42, %get3A_43, %get3A_44] : memref<1x1x1600xi32, #tpu.memory_space<vmem>>, vector<1x1x1600xi32>
    %get3A_46 = vector.shape_cast %get3A_45 : vector<1x1x1600xi32> to vector<1x1600xi32>
    %sub3A = vector.broadcast %multiple_of3A : i32 to vector<1x1600xi32>
    %sub3A_47 = arith.subi %get3A_46, %sub3A : vector<1x1600xi32>
    %iota3A = tpu.iota {dimensions = array<i32: 0>} : vector<192x1600xi32>
    %broadcast_in_dim3A = vector.shape_cast %sub3A_47 : vector<1x1600xi32> to vector<1x1600xi32>
    %broadcast_in_dim3A_48 = vector.broadcast %broadcast_in_dim3A : vector<1x1600xi32> to vector<192x1600xi32>
    %eq3A_49 = arith.cmpi eq, %iota3A, %broadcast_in_dim3A_48 : vector<192x1600xi32>
    %convert_element_type3A_50 = arith.extui %eq3A_49 : vector<192x1600xi1> to vector<192x1600xi32>
    %convert_element_type3A_51 = arith.sitofp %convert_element_type3A_50 : vector<192x1600xi32> to vector<192x1600xf32>
    %get3A_52 = arith.index_cast %multiple_of3A : i32 to index
    %get3A_53 = arith.constant 0 : index
    %get3A_54 = vector.load %arg12[%get3A_52, %get3A_53] : memref<10192x1xf32, #tpu.memory_space<vmem>>, vector<192x1xf32>
    %reduce_sum3A = arith.constant dense<0.000000e+00> : vector<192xf32>
    %reduce_sum3A_55 = vector.multi_reduction <add>, %convert_element_type3A_51, %reduce_sum3A [1] : vector<192x1600xf32> to vector<192xf32>
    %broadcast_in_dim3A_56 = vector.shape_cast %reduce_sum3A_55 : vector<192xf32> to vector<192x1xf32>
    %add3A_57 = arith.addf %get3A_54, %broadcast_in_dim3A_56 : vector<192x1xf32>
    %swap3A_58 = arith.index_cast %multiple_of3A : i32 to index
    %swap3A_59 = arith.constant 0 : index
    %swap3A_60 = vector.load %arg12[%swap3A_58, %swap3A_59] : memref<10192x1xf32, #tpu.memory_space<vmem>>, vector<192x1xf32>
    tpu.vector_store %arg12[%swap3A_58, %swap3A_59], %add3A_57 {strides = array<i32>} : memref<10192x1xf32, #tpu.memory_space<vmem>>, vector<192x1xf32>,
    %eq3A_61 = arith.constant 49 : i32
    %eq3A_62 = arith.cmpi eq, %arg0, %eq3A_61 : i32
    %convert_element_type3A_63 = arith.extui %eq3A_62 : i1 to i32
    %cond3A_64 = arith.constant 0 : i32
    %cond3A_65 = arith.cmpi ne, %convert_element_type3A_63, %cond3A_64 : i32
    scf.if %cond3A_65 {
      %get3A_66 = arith.constant 0 : index
      %get3A_67 = arith.constant 0 : index
      %get3A_68 = vector.load %arg12[%get3A_66, %get3A_67] : memref<10192x1xf32, #tpu.memory_space<vmem>>, vector<10192x1xf32>
      %slice3A = vector.extract_strided_slice %get3A_68 {offsets = [0, 0], sizes = [10000, 1], strides = [1, 1]} : vector<10192x1xf32> to vector<10000x1xf32>
      %swap3A_69 = arith.constant 0 : index
      %swap3A_70 = arith.constant 0 : index
      %swap3A_71 = vector.load %arg11[%swap3A_69, %swap3A_70] : memref<10000x1xf32, #tpu.memory_space<vmem>>, vector<10000x1xf32>
      tpu.vector_store %arg11[%swap3A_69, %swap3A_70], %slice3A {strides = array<i32>} : memref<10000x1xf32, #tpu.memory_space<vmem>>, vector<10000x1xf32>,
    } else {
    }
    return
  }
  func.func @transform_0(%arg0: i32, %arg1: memref<100xi32, #tpu.memory_space<smem>>) -> (i32, i32) {
    %add3A = arith.constant 50 : i32
    %add3A_0 = arith.addi %add3A, %arg0 : i32
    %c0_i32 = arith.constant 0 : i32
    %c0_i32_1 = arith.constant 0 : i32
    return %add3A_0, %c0_i32 : i32, i32
  }
  func.func @transform_1(%arg0: i32, %arg1: memref<100xi32, #tpu.memory_space<smem>>) -> (i32, i32) {
    %add3A = arith.constant 50 : i32
    %add3A_0 = arith.addi %add3A, %arg0 : i32
    %c0_i32 = arith.constant 0 : i32
    %c0_i32_1 = arith.constant 0 : i32
    return %add3A_0, %c0_i32 : i32, i32
  }
  func.func @transform_2(%arg0: i32, %arg1: memref<100xi32, #tpu.memory_space<smem>>) -> (i32, i32, i32) {
    %add3A = arith.constant 50 : i32
    %add3A_0 = arith.addi %add3A, %arg0 : i32
    %c0_i32 = arith.constant 0 : i32
    %c0_i32_1 = arith.constant 0 : i32
    %c0_i32_2 = arith.constant 0 : i32
    return %add3A_0, %c0_i32, %c0_i32_1 : i32, i32, i32
  }
  func.func @transform_3(%arg0: i32, %arg1: memref<100xi32, #tpu.memory_space<smem>>) -> (i32, i32) {
    %c0_i32 = arith.constant 0 : i32
    %c0_i32_0 = arith.constant 0 : i32
    %c0_i32_1 = arith.constant 0 : i32
    return %c0_i32, %c0_i32_0 : i32, i32
  }
  func.func @transform_4(%arg0: i32, %arg1: memref<100xi32, #tpu.memory_space<smem>>) -> (i32, i32) {
    %c0_i32 = arith.constant 0 : i32
    %c0_i32_0 = arith.constant 0 : i32
    %c0_i32_1 = arith.constant 0 : i32
    return %c0_i32, %c0_i32_0 : i32, i32
  }
  func.func @transform_5(%arg0: i32, %arg1: memref<100xi32, #tpu.memory_space<smem>>) -> (i32, i32) {
    %c0_i32 = arith.constant 0 : i32
    %c0_i32_0 = arith.constant 0 : i32
    %c0_i32_1 = arith.constant 0 : i32
    return %c0_i32, %c0_i32_0 : i32, i32
  }
  func.func @transform_6(%arg0: i32, %arg1: memref<100xi32, #tpu.memory_space<smem>>) -> (i32, i32) {
    %c0_i32 = arith.constant 0 : i32
    %c0_i32_0 = arith.constant 0 : i32
    %c0_i32_1 = arith.constant 0 : i32
    return %c0_i32, %c0_i32_0 : i32, i32
  }
  func.func @transform_7(%arg0: i32, %arg1: memref<100xi32, #tpu.memory_space<smem>>) -> (i32, i32) {
    %c0_i32 = arith.constant 0 : i32
    %c0_i32_0 = arith.constant 0 : i32
    %c0_i32_1 = arith.constant 0 : i32
    return %c0_i32, %c0_i32_0 : i32, i32
  }
  func.func @transform_8(%arg0: i32, %arg1: memref<100xi32, #tpu.memory_space<smem>>) -> (i32, i32) {
    %c0_i32 = arith.constant 0 : i32
    %c0_i32_0 = arith.constant 0 : i32
    return %arg0, %c0_i32 : i32, i32
  }
  func.func @transform_9(%arg0: i32, %arg1: memref<100xi32, #tpu.memory_space<smem>>) -> (i32, i32) {
    %c0_i32 = arith.constant 0 : i32
    %c0_i32_0 = arith.constant 0 : i32
    %c0_i32_1 = arith.constant 0 : i32
    return %c0_i32, %c0_i32_0 : i32, i32
  }
}

module attributes {stable_mosaic.version = 14 : i64} {
  func.func @_heads_body(%arg0: i32, %arg1: memref<10000x256xf32, #tpu.memory_space<vmem>>, %arg2: memref<10000x2xf32, #tpu.memory_space<vmem>>, %arg3: memref<256x128xf32, #tpu.memory_space<vmem>>, %arg4: memref<1x128xf32, #tpu.memory_space<vmem>>, %arg5: memref<256x128xf32, #tpu.memory_space<vmem>>, %arg6: memref<1x128xf32, #tpu.memory_space<vmem>>, %arg7: memref<10000x128xf32, #tpu.memory_space<vmem>>, %arg8: memref<10000x128xf32, #tpu.memory_space<vmem>>, %arg9: memref<10000x128xf32, #tpu.memory_space<vmem>>, %arg10: memref<10000x128xf32, #tpu.memory_space<vmem>>) attributes {dimension_semantics = [#tpu.dimension_semantics<arbitrary>], iteration_bounds = array<i64: 1>, scalar_prefetch = 0 : i64, scratch_operands = 0 : i64, tpu.core_type = #tpu.core_type<tc>, window_params = [{pipeline_mode = #tpu.pipeline_mode<synchronous>, transform_indices = @transform_0, window_bounds = array<i64: 10000, 256>}, {pipeline_mode = #tpu.pipeline_mode<synchronous>, transform_indices = @transform_1, window_bounds = array<i64: 10000, 2>}, {pipeline_mode = #tpu.pipeline_mode<synchronous>, transform_indices = @transform_2, window_bounds = array<i64: 256, 128>}, {pipeline_mode = #tpu.pipeline_mode<synchronous>, transform_indices = @transform_3, window_bounds = array<i64: 1, 128>}, {pipeline_mode = #tpu.pipeline_mode<synchronous>, transform_indices = @transform_4, window_bounds = array<i64: 256, 128>}, {pipeline_mode = #tpu.pipeline_mode<synchronous>, transform_indices = @transform_5, window_bounds = array<i64: 1, 128>}, {pipeline_mode = #tpu.pipeline_mode<synchronous>, transform_indices = @transform_6, window_bounds = array<i64: 10000, 128>}, {pipeline_mode = #tpu.pipeline_mode<synchronous>, transform_indices = @transform_7, window_bounds = array<i64: 10000, 128>}, {pipeline_mode = #tpu.pipeline_mode<synchronous>, transform_indices = @transform_8, window_bounds = array<i64: 10000, 128>}, {pipeline_mode = #tpu.pipeline_mode<synchronous>, transform_indices = @transform_9, window_bounds = array<i64: 10000, 128>}]} {
    %get3A = arith.constant 0 : index
    %get3A_0 = arith.constant 0 : index
    %get3A_1 = vector.load %arg2[%get3A, %get3A_0] : memref<10000x2xf32, #tpu.memory_space<vmem>>, vector<10000x2xf32>
    %reduce_sum3A = arith.constant dense<0.000000e+00> : vector<10000xf32>
    %reduce_sum3A_2 = vector.multi_reduction <add>, %get3A_1, %reduce_sum3A [1] : vector<10000x2xf32> to vector<10000xf32>
    %broadcast_in_dim3A = vector.shape_cast %reduce_sum3A_2 : vector<10000xf32> to vector<10000x1xf32>
    %gt3A = arith.constant 0.000000e+00 : f32
    %gt3A_3 = vector.broadcast %gt3A : f32 to vector<10000x1xf32>
    %gt3A_4 = arith.cmpf ogt, %broadcast_in_dim3A, %gt3A_3 : vector<10000x1xf32>
    %get3A_5 = arith.constant 0 : index
    %get3A_6 = arith.constant 0 : index
    %get3A_7 = vector.load %arg1[%get3A_5, %get3A_6] : memref<10000x256xf32, #tpu.memory_space<vmem>>, vector<10000x256xf32>
    %jit3A = arith.constant 1.000000e+00 : f32
    %broadcast_in_dim3A_8 = vector.broadcast %jit3A : f32 to vector<10000x1xf32>
    %select_n3A = arith.select %gt3A_4, %broadcast_in_dim3A, %broadcast_in_dim3A_8 : vector<10000x1xi1>, vector<10000x1xf32>
    %div3A = vector.broadcast %select_n3A : vector<10000x1xf32> to vector<10000x256xf32>
    %div3A_9 = arith.divf %get3A_7, %div3A : vector<10000x256xf32>
    %jit3A_10 = arith.constant 0.000000e+00 : f32
    %broadcast_in_dim3A_11 = vector.shape_cast %gt3A_4 : vector<10000x1xi1> to vector<10000x1xi1>
    %broadcast_in_dim3A_12 = vector.broadcast %broadcast_in_dim3A_11 : vector<10000x1xi1> to vector<10000x256xi1>
    %broadcast_in_dim3A_13 = vector.broadcast %jit3A_10 : f32 to vector<10000x256xf32>
    %select_n3A_14 = arith.select %broadcast_in_dim3A_12, %div3A_9, %broadcast_in_dim3A_13 : vector<10000x256xi1>, vector<10000x256xf32>
    %get3A_15 = arith.constant 0 : index
    %get3A_16 = arith.constant 0 : index
    %get3A_17 = vector.load %arg3[%get3A_15, %get3A_16] : memref<256x128xf32, #tpu.memory_space<vmem>>, vector<256x128xf32>
    %dot_general3A = arith.constant dense<0.000000e+00> : vector<10000x128xf32>
    %dot_general3A_18 = tpu.matmul %select_n3A_14, %get3A_17, %dot_general3A {dimension_numbers = #tpu.dot_dimension_numbers<[1], [0], [0], [1], [0, 0, 1, 1], [], []>, transpose_lhs_hint = false} : vector<10000x256xf32>, vector<256x128xf32>, vector<10000x128xf32> -> vector<10000x128xf32>
    %get3A_19 = arith.constant 0 : index
    %get3A_20 = arith.constant 0 : index
    %get3A_21 = vector.load %arg4[%get3A_19, %get3A_20] : memref<1x128xf32, #tpu.memory_space<vmem>>, vector<1x128xf32>
    %add3A = vector.broadcast %get3A_21 : vector<1x128xf32> to vector<10000x128xf32>
    %add3A_22 = arith.addf %dot_general3A_18, %add3A : vector<10000x128xf32>
    %get3A_23 = arith.constant 0 : index
    %get3A_24 = arith.constant 0 : index
    %get3A_25 = vector.load %arg5[%get3A_23, %get3A_24] : memref<256x128xf32, #tpu.memory_space<vmem>>, vector<256x128xf32>
    %dot_general3A_26 = arith.constant dense<0.000000e+00> : vector<10000x128xf32>
    %dot_general3A_27 = tpu.matmul %select_n3A_14, %get3A_25, %dot_general3A_26 {dimension_numbers = #tpu.dot_dimension_numbers<[1], [0], [0], [1], [0, 0, 1, 1], [], []>, transpose_lhs_hint = false} : vector<10000x256xf32>, vector<256x128xf32>, vector<10000x128xf32> -> vector<10000x128xf32>
    %get3A_28 = arith.constant 0 : index
    %get3A_29 = arith.constant 0 : index
    %get3A_30 = vector.load %arg6[%get3A_28, %get3A_29] : memref<1x128xf32, #tpu.memory_space<vmem>>, vector<1x128xf32>
    %add3A_31 = vector.broadcast %get3A_30 : vector<1x128xf32> to vector<10000x128xf32>
    %add3A_32 = arith.addf %dot_general3A_27, %add3A_31 : vector<10000x128xf32>
    %swap3A = arith.constant 0 : index
    %swap3A_33 = arith.constant 0 : index
    %swap3A_34 = vector.load %arg8[%swap3A, %swap3A_33] : memref<10000x128xf32, #tpu.memory_space<vmem>>, vector<10000x128xf32>
    tpu.vector_store %arg8[%swap3A, %swap3A_33], %add3A_22 {strides = array<i32>} : memref<10000x128xf32, #tpu.memory_space<vmem>>, vector<10000x128xf32>,
    %swap3A_35 = arith.constant 0 : index
    %swap3A_36 = arith.constant 0 : index
    %swap3A_37 = vector.load %arg9[%swap3A_35, %swap3A_36] : memref<10000x128xf32, #tpu.memory_space<vmem>>, vector<10000x128xf32>
    tpu.vector_store %arg9[%swap3A_35, %swap3A_36], %add3A_32 {strides = array<i32>} : memref<10000x128xf32, #tpu.memory_space<vmem>>, vector<10000x128xf32>,
    %mul3A = arith.constant 5.000000e-01 : f32
    %mul3A_38 = vector.broadcast %mul3A : f32 to vector<10000x128xf32>
    %mul3A_39 = arith.mulf %mul3A_38, %add3A_32 : vector<10000x128xf32>
    %exp3A = math.exp %mul3A_39 : vector<10000x128xf32>
    %get3A_40 = arith.constant 0 : index
    %get3A_41 = arith.constant 0 : index
    %get3A_42 = vector.load %arg7[%get3A_40, %get3A_41] : memref<10000x128xf32, #tpu.memory_space<vmem>>, vector<10000x128xf32>
    %mul3A_43 = arith.mulf %exp3A, %get3A_42 : vector<10000x128xf32>
    %add3A_44 = arith.addf %add3A_22, %mul3A_43 : vector<10000x128xf32>
    %swap3A_45 = arith.constant 0 : index
    %swap3A_46 = arith.constant 0 : index
    %swap3A_47 = vector.load %arg10[%swap3A_45, %swap3A_46] : memref<10000x128xf32, #tpu.memory_space<vmem>>, vector<10000x128xf32>
    tpu.vector_store %arg10[%swap3A_45, %swap3A_46], %add3A_44 {strides = array<i32>} : memref<10000x128xf32, #tpu.memory_space<vmem>>, vector<10000x128xf32>,
    return
  }
  func.func @transform_0(%arg0: i32) -> (i32, i32) {
    %c0_i32 = arith.constant 0 : i32
    %c0_i32_0 = arith.constant 0 : i32
    %c0_i32_1 = arith.constant 0 : i32
    return %c0_i32, %c0_i32_0 : i32, i32
  }
  func.func @transform_1(%arg0: i32) -> (i32, i32) {
    %c0_i32 = arith.constant 0 : i32
    %c0_i32_0 = arith.constant 0 : i32
    %c0_i32_1 = arith.constant 0 : i32
    return %c0_i32, %c0_i32_0 : i32, i32
  }
  func.func @transform_2(%arg0: i32) -> (i32, i32) {
    %c0_i32 = arith.constant 0 : i32
    %c0_i32_0 = arith.constant 0 : i32
    %c0_i32_1 = arith.constant 0 : i32
    return %c0_i32, %c0_i32_0 : i32, i32
  }
  func.func @transform_3(%arg0: i32) -> (i32, i32) {
    %c0_i32 = arith.constant 0 : i32
    %c0_i32_0 = arith.constant 0 : i32
    %c0_i32_1 = arith.constant 0 : i32
    return %c0_i32, %c0_i32_0 : i32, i32
  }
  func.func @transform_4(%arg0: i32) -> (i32, i32) {
    %c0_i32 = arith.constant 0 : i32
    %c0_i32_0 = arith.constant 0 : i32
    %c0_i32_1 = arith.constant 0 : i32
    return %c0_i32, %c0_i32_0 : i32, i32
  }
  func.func @transform_5(%arg0: i32) -> (i32, i32) {
    %c0_i32 = arith.constant 0 : i32
    %c0_i32_0 = arith.constant 0 : i32
    %c0_i32_1 = arith.constant 0 : i32
    return %c0_i32, %c0_i32_0 : i32, i32
  }
  func.func @transform_6(%arg0: i32) -> (i32, i32) {
    %c0_i32 = arith.constant 0 : i32
    %c0_i32_0 = arith.constant 0 : i32
    %c0_i32_1 = arith.constant 0 : i32
    return %c0_i32, %c0_i32_0 : i32, i32
  }
  func.func @transform_7(%arg0: i32) -> (i32, i32) {
    %c0_i32 = arith.constant 0 : i32
    %c0_i32_0 = arith.constant 0 : i32
    %c0_i32_1 = arith.constant 0 : i32
    return %c0_i32, %c0_i32_0 : i32, i32
  }
  func.func @transform_8(%arg0: i32) -> (i32, i32) {
    %c0_i32 = arith.constant 0 : i32
    %c0_i32_0 = arith.constant 0 : i32
    %c0_i32_1 = arith.constant 0 : i32
    return %c0_i32, %c0_i32_0 : i32, i32
  }
  func.func @transform_9(%arg0: i32) -> (i32, i32) {
    %c0_i32 = arith.constant 0 : i32
    %c0_i32_0 = arith.constant 0 : i32
    %c0_i32_1 = arith.constant 0 : i32
    return %c0_i32, %c0_i32_0 : i32, i32
  }
}

</mosaic_0001>

<sc_bundles>
// kernel: kernel.10.cloned.1.call-start
scs
__scs_entry_jumppad:
0x0: {  	(pc) =	sbr.rel $0x88, $3  }
0x1: {  	(tag) =	ssettag $0x0;
	lr =	simm.s32 $0x1  }
0x2: {  	[smem:$0x3F96] =	sst lr;
	_ =	strace $0xD0000000  }
0x3: {  	_ = 	snop  }
0x4: {  	_ = 	snop  }
0x5: {  	_ = 	snop  }
0x6: {  	_ = 	snop  }
0x7: {  	_ = 	snop  }
__scs_overlays_trampoline_lowered:
0x8: {  	[smem:$0x3FA5] =	sst s0  }
0x9: {  	[smem:$0x3FA6] =	sst s1  }
0xa: {  	[smem:$0x3FA7] =	sst s2  }
0xb: {  	[smem:$0x3FA8] =	sst s3  }
0xc: {  	[smem:$0x3FA9] =	sst s4  }
0xd: {  	[smem:$0x3FAA] =	sst s5  }
0xe: {  	[smem:$0x3FAB] =	sst s6  }
0xf: {  	[smem:$0x3FAC] =	sst s7  }
0x10: {  	[smem:$0x3FAD] =	sst s8  }
0x11: {  	[smem:$0x3FAE] =	sst s9;
	s0 =	simm.s32 @!p0 $0x0  }
0x12: {  	s1 =	sld [smem:$0x3F94];
	s0 =	simm.s32 @p0 $0x1  }
0x13: {  	[smem:$0x3FAF] =	sst s0;
	s0 =	simm.s32 @!p1 $0x0  }
0x14: {  	s2 =	sld [smem:$0x3F93];
	s0 =	simm.s32 @p1 $0x1  }
0x15: {  	[smem:$0x3FB0] =	sst s0;
	s0 =	simm.s32 @!p2 $0x0  }
0x16: {  	s3 =	sld [smem:$0x3FDB];
	s0 =	simm.s32 @p2 $0x1  }
0x17: {  	s4 =	simm.s32 $0x1BF5;
	[smem:$0x3FB2] =	sst s0  }
0x18: {  	s0 =	sld [smem:$0x3F95];
	_ =	swait.ge [sflag:s4], $0x0  }
0x19: {  	s7 =	sld [smem:$0x3F96]  }
0x1a: {  	s8 =	sadd.s32 $0xFFFFE003, lr  }
0x1b: {  	s9 =	sadd.s32 $0xFFFFFEF7, lr;
	s5 =	simm.s32 $0xFFFFFFFF;
	p2 =	slt.u32 s8, $0xFFFFF086  }
0x1c: {  	p1 =	slt.u32 s9, $0xF7A;
	s5 =	simm.s32 @!p2 $0x0  }
0x1d: {  	s5 =	simm.s32 @p1 $0x1;
	p0 =	seq.s32 s7, s2  }
0x1e: {  	s7 =	smul.u32 @!p0 $0xF7A, s2;
	p2 =	seq.s32 @!p0 s5, $0x0  }
0x1f: {  	s9 =	smul.u32 $0xF7A, s1;
	s8 =	simm.s32 @!p0 $0x1BF5;
	p2 =	por !p2, p0  }
0x20: {  	[sflag:s8] =	ssyncset.s32 @!p0 $0xFFFFF086;
	s6 =	sadd.s32 @!p0 s3, s7;
	s7 =	simm.s32 @!p0 $0x108  }
0x21: {  	s3 =	sadd.s32 s3, s9;
	s6 =	sadd.s32 @!p0 $0x88, s6;
	s7 =	simm.s32 @p2 $0x1082  }
0x22: {  	[simem:s7], [sflag:s8] =	dma.local @!p0 [hbm:s6], $0xF7A  }
0x23: {  	s9 =	sor.u32 $0xD0000000, s2;
	s6 =	simm.s32 $0x108;
	_ =	swait.ge @!p0 [sflag:s8], $0x0  }
0x24: {  	s3 =	sadd.s32 $0x88, s3;
	s6 =	simm.s32 @!p1 $0x1082;
	[sflag:s4] =	ssyncset.s32 $0xFFFFF086  }
0x25: {  	[simem:s6], [sflag:s4] =	dma.local [hbm:s3], $0xF7A  }
0x26: {  	[smem:$0x3F96] =	sst s1;
	(tag) =	ssettag s2;
	_ =	strace s9  }
0x27: {  	s1 =	sld [smem:$0x3FA6]  }
0x28: {  	s2 =	sld [smem:$0x3FA7]  }
0x29: {  	s4 =	sld [smem:$0x3FA9]  }
0x2a: {  	p0 =	seq.s32 s5, $0x0;
	s5 =	sld [smem:$0x3FAA]  }
0x2b: {  	s6 =	sld [smem:$0x3FAB]  }
0x2c: {  	s7 =	sld [smem:$0x3FAC]  }
0x2d: {  	s3 =	simm.s32 $0x108;
	s8 =	sld [smem:$0x3FAD]  }
0x2e: {  	s3 =	simm.s32 @!p0 $0x1082;
	s9 =	sld [smem:$0x3FAE]  }
0x2f: {  	lr =	sadd.s32 s0, s3;
	s0 =	sld [smem:$0x3FA5]  }
0x30: {  	s3 =	sld [smem:$0x3FA8]  }
0x31: {  	[smem:$0x3FB1] =	sst s10  }
0x32: {  	s10 =	sld [smem:$0x3FAF];
	_ =	sdelay $0x3  }
0x33: {  	p0 =	seq.s32 s10, $0x1;
	s10 =	sld [smem:$0x3FB1];
	_ =	sdelay $0x3  }
0x34: {  	[smem:$0x3FB1] =	sst s10  }
0x35: {  	s10 =	sld [smem:$0x3FB0];
	_ =	sdelay $0x3  }
0x36: {  	p1 =	seq.s32 s10, $0x1;
	s10 =	sld [smem:$0x3FB1];
	_ =	sdelay $0x3  }
0x37: {  	[smem:$0x3FB1] =	sst s10  }
0x38: {  	s10 =	sld [smem:$0x3FB2]  }
0x39: {  	_ = 	snop;
	(pc) =	sbr.ind lr, $3  }
0x3a: {  	_ = 	snop  }
0x3b: {  	_ = 	snop  }
0x3c: {  	p2 =	seq.s32 s10, $0x1;
	s10 =	sld [smem:$0x3FB1]  }
0x3d: {  	_ =	shalt  }
0x3e: {  	_ =	shalt  }
0x3f: {  	_ =	shalt  }
0x40: {  	_ =	shalt  }
0x41: {  	_ =	shalt  }
0x42: {  	_ =	shalt  }
0x43: {  	_ =	shalt  }
0x44: {  	_ =	shalt  }
0x45: {  	_ =	shalt  }
0x46: {  	_ =	shalt  }
0x47: {  	_ =	shalt  }
0x48: {  	_ =	shalt  }
0x49: {  	_ =	shalt  }
0x4a: {  	_ =	shalt  }
0x4b: {  	_ =	shalt  }
0x4c: {  	_ =	shalt  }
0x4d: {  	_ =	shalt  }
0x4e: {  	_ =	shalt  }
0x4f: {  	_ =	shalt  }
0x50: {  	_ =	shalt  }
0x51: {  	_ =	shalt  }
0x52: {  	_ =	shalt  }
0x53: {  	_ =	shalt  }
0x54: {  	_ =	shalt  }
0x55: {  	_ =	shalt  }
0x56: {  	_ =	shalt  }
0x57: {  	_ =	shalt  }
0x58: {  	_ =	shalt  }
0x59: {  	_ =	shalt  }
0x5a: {  	_ =	shalt  }
0x5b: {  	_ =	shalt  }
0x5c: {  	_ =	shalt  }
0x5d: {  	_ =	shalt  }
0x5e: {  	_ =	shalt  }
0x5f: {  	_ =	shalt  }
0x60: {  	_ =	shalt  }
0x61: {  	_ =	shalt  }
0x62: {  	_ =	shalt  }
0x63: {  	_ =	shalt  }
0x64: {  	_ =	shalt  }
0x65: {  	_ =	shalt  }
0x66: {  	_ =	shalt  }
0x67: {  	_ =	shalt  }
0x68: {  	_ =	shalt  }
0x69: {  	_ =	shalt  }
0x6a: {  	_ =	shalt  }
0x6b: {  	_ =	shalt  }
0x6c: {  	_ =	shalt  }
0x6d: {  	_ =	shalt  }
0x6e: {  	_ =	shalt  }
0x6f: {  	_ =	shalt  }
0x70: {  	_ =	shalt  }
0x71: {  	_ =	shalt  }
0x72: {  	_ =	shalt  }
0x73: {  	_ =	shalt  }
0x74: {  	_ =	shalt  }
0x75: {  	_ =	shalt  }
0x76: {  	_ =	shalt  }
0x77: {  	_ =	shalt  }
0x78: {  	_ =	shalt  }
0x79: {  	_ =	shalt  }
0x7a: {  	_ =	shalt  }
0x7b: {  	_ =	shalt  }
0x7c: {  	_ =	shalt  }
0x7d: {  	_ =	shalt  }
0x7e: {  	_ =	shalt  }
0x7f: {  	_ =	shalt  }
0x80: {  	_ =	shalt  }
0x81: {  	_ =	shalt  }
0x82: {  	_ =	shalt  }
0x83: {  	_ =	shalt  }
0x84: {  	_ =	shalt  }
0x85: {  	_ =	shalt  }
0x86: {  	_ =	shalt  }
0x87: {  	_ =	shalt  }
.Lfunc_end0:
.L_simem_size_0:
called_computation.1_lowered:
.L_overlay_start_0:
0x88: {  	s2 =	sld [smem:$0x3FD9]  }
0x89: {  	s3 =	sld [smem:$0x3FFE];
	_ =	sdelay $0x1  }
0x8a: {  	s1 =	srdreg.scid  }
0x8b: {  	s0 =	sand.u32 $0x1, s1  }
0x8c: {  	s14 =	sshll.u32 s0, $0xA;
	s2 =	sadd.s32 s3, s2  }
0x8d: {  	s2 =	sadd.s32 s2, s14  }
0x8e: {  	[smem:$0x3FBD] =	sst s2  }
0x8f: {  	_ = 	snop  }
0x90: {  	s2 =	sld [smem:$0x3FD0];
	_ =	sdelay $0x2  }
0x91: {  	s15 =	simm.s32 $0xA;
	s4 =	simm.s32 $0x10  }
0x92: {  	[smem:s4], [sflag:s15] =	dma.local [hbm:s2], $0x1  }
0x93: {  	_ =	swait.eq [sflag:s15], $0x1  }
0x94: {  	[sflag:s15] =	ssyncset.done $0x0  }
0x95: {  	[sflag:s15] =	ssyncadd.s32 $0xFFFFFFFF  }
0x96: {  	s16 =	sld [smem:$0x11];
	(tm) =	ssettm $0x1  }
0x97: {  	s17 =	sld [smem:$0x3FFB];
	_ =	sdelay $0x3  }
0x98: {  	_ =	strace s17  }
0x99: {  	s3 =	sld [smem:$0x3FFC];
	_ =	sdelay $0x3  }
0x9a: {  	_ =	strace s3  }
0x9b: {  	s3 =	sld [smem:$0x3FFD];
	_ =	sdelay $0x3  }
0x9c: {  	_ =	strace s3  }
0x9d: {  	_ =	strace $0x8FFFFFFF  }
0x9e: {  	s18 =	sld [smem:$0x3FDB];
	_ =	sdelay $0x1  }
0x9f: {  	s19 =	simm.s32 $_scs_section_size  }
0xa0: {  	s5 =	simm.s32 $_size__tile_overlayer_lowered;
	s6 =	simm.s32 $_tile_overlayer_lowered  }
0xa1: {  	s22 =	simm.s32 $0x1BFF;
	s21 =	sshll.u32 s6, $0x1;
	s3 =	sadd.s32 s19, s18  }
0xa2: {  	s7 =	simm.s32 $0x0;
	s20 =	sshll.u32 s5, $0x1;
	s5 =	sadd.s32 s21, s3  }
0xa3: {  	[timem:s7], [sflag:s22] =	dma.local [hbm:s5], s20  }
0xa4: {  	_ =	swait.ge [sflag:s22], s20  }
0xa5: {  	s4 =	ssub.s32 $0x0, s20;
	[sflag:s22] =	ssyncset.done $0x0  }
0xa6: {  	[sflag:s22] =	ssyncadd.s32 s4;
	_ =	sdelay $0x1  }
0xa7: {  	s23 =	simm.s32 $0x1B8B  }
0xa8: {  	_ =	swait.ge [sflag:s23], $0x1  }
0xa9: {  	[sflag:s23] =	ssyncset.done $0x0  }
0xaa: {  	s25 =	simm.s32 $0x1B8E;
	s24 =	sld [smem:$0x3FFE];
	[sflag:s23] =	ssyncadd.s32 $0xFFFFFFFF  }
0xab: {  	s26 =	simm.s32 $execute0_lowered;
	[smem:$0x3FD2] =	sst s25  }
0xac: {  	s5 =	sshll.u32 s26, $0x1;
	_ =	strace $0x80000049;
	[dreg:$0x1] =	wrdreg $0xFFFFFFFF  }
0xad: {  	s28 =	simm.s32 $_size_execute0_lowered;
	s3 =	sadd.s32 s3, s5;
	[dreg:$0x0] =	wrdreg $0x0  }
0xae: {  	s5 =	sshll.u32 s28, $0x1;
	[dreg:$0x2] =	wrdreg s3  }
0xaf: {  	[dreg:$0x3] =	wrdreg s5  }
0xb0: {  	[dreg:$0x4] =	wrdreg $0xC0  }
0xb1: {  	_ =	task [dreg:s7], $0x5FFFF  }
0xb2: {  	[dreg:$0x1] =	wrdreg $0xFFFFFFFF  }
0xb3: {  	[dreg:$0x0] =	wrdreg $0x60  }
0xb4: {  	[dreg:$0x2] =	wrdreg s24  }
0xb5: {  	[dreg:$0x3] =	wrdreg s16  }
0xb6: {  	[dreg:$0x4] =	wrdreg $0x0  }
0xb7: {  	[dreg:$0x5] =	wrdreg $0x9  }
0xb8: {  	_ =	task.clear_ibuf [dreg:s7], $0x6FFFF;
	_ =	strace $0x90000049  }
0xb9: {  	s29 =	simm.s32 $0x9;
	_ =	strace $0x8000004B  }
0xba: {  	_ =	swait.ge [sflag:s29], $0x1  }
0xbb: {  	[sflag:s29] =	ssyncadd.s32 $0xFFFFFFFF  }
0xbc: {  	_ =	strace $0x9000004B  }
0xbd: {  	_ =	sfence  }
0xbe: {  	s30 =	sld [smem:$0x0];
	_ =	sdelay $0x2  }
0xbf: {  	s31 =	sshll.u32 s1, $0xD;
	s1 =	sshrl.u32 s1, $0x2  }
0xc0: {  	s3 =	sand.u32 $0x4000, s31;
	s1 =	sadd.s32 s1, s30  }
0xc1: {  	s0 =	sor.u32 s3, s0;
	s1 =	sshll.u32 s1, $0x11  }
0xc2: {  	s0 =	sor.u32 s1, s0  }
0xc3: {  	s0 =	sadd.s32 $0x8F2B, s0  }
0xc4: {  	[sflag:s0] =	ssyncadd.remote.s32 $0x1  }
0xc5: {  	_ =	sfence.sel $0xFFFF  }
0xc6: {  	[dreg:$0x0] =	wrdreg $0xFFFFFFFF;
	(pc) =	sbr.abs _section_cstart, $3  }
0xc7: {  	[dreg:$0x1] =	wrdreg $0xFFFFFFFF  }
0xc8: {  	_ =	task.clear_ibuf [dreg:s7], $0x2FFFF;
	_ =	strace $0x9FFFFFFF  }
0xc9: {  	(tm) =	ssettm $0x7FFFFFFF  }
tec
execute0_lowered:
.L_overlay_start_1:
0x0: {  	(tag) =	ssettag $0x1  }
0x1: {  	s0 =	rddreg [dreg:$0x0]  }
0x2: {  	s2 =	rddreg [dreg:$0x1]  }
0x3: {  	s1 =	rddreg [dreg:$0x2];
	s3 =	simm.s32 $0x0  }
0x4: {  	s12 =	srdreg.scid;
	s19 =	stileid.u32;
	s28 =	simm.s32 $0x16100  }
0x5: {  	s29 =	simm.s32 $0x2;
	s30 =	simm.s32 $0x4;
	s31 =	simm.s32 $0x28  }
0x6: {  	[smem:$0x7FF] =	sst s3;
	s15 =	sadd.s32 $0x580C00, s0;
	s5 =	smul.u32 $0x27000, s19  }
0x7: {  	s3 =	sand.u32 $0x1, s12;
	s6 =	sadd.s32 $0x532A00, s0;
	s8 =	smul.u32 $0x4E000, s19  }
0x8: {  	s0 =	sadd.s32 $0x2800, s0;
	s17 =	smul.u32 $0x7D, s19;
	s18 =	sshll.u32 s19, $0x6  }
0x9: {  	s20 =	smul.u32 $0x138800, s19;
	s22 =	sadd.s32 $0x138000, s1;
	p0 =	sne.s32 s19, $0xF  }
0xa: {  	_ =	strace $0x8000004A;
	s4 =	ssub.s32 $0x2, s3;
	s9 =	sshll.u32 s3, $0xA  }
0xb: {  	s3 =	sshll.u32 s3, $0x7;
	[dreg:$0x5] =	wrdreg s22;
	s22 =	simm.s32 $0x400  }
0xc: {  	s7 =	sshrl.u32 s4, $0x1;
	s13 =	sor.u32 s9, s5;
	s16 =	sshrl.u32 s8, $0x2  }
0xd: {  	s10 =	sadd.s32 $0x1, s17;
	s5 =	sor.u32 $0x1C05, s18;
	s21 =	sadd.s32 s3, s6  }
0xe: {  	s17 =	smul.u32 $0x7D0, s19;
	s19 =	simm.s32 $0x80;
	s14 =	ssub.s32 s4, s7  }
0xf: {  	s12 =	sshrl.u32 s13, $0x3;
	s16 =	sadd.s32 s16, s1;
	s11 =	smul.u32 $0x2800, s10  }
0x10: {  	s23 =	sadd.s32 $0x4E000, s21;
	s13 =	sor.u32 s9, s20;
	s18 =	sshll.u32 s10, $0x4  }
0x11: {  	s20 =	simm.s32 $0x100;
	s21 =	simm.s32 $0x5;
	s4 =	sadd.s32 s6, s12  }
0x12: {  	[dreg:$0x6] =	wrdreg s23;
	s8 =	sshrl.u32 s13, $0x3;
	s12 =	sadd.s32 s0, s12  }
0x13: {  	s0 =	sadd.s32 s3, s0;
	s25 =	sadd.s32 $0x5000, s13;
	s14 =	smax.u32 s14, $0x1  }
0x14: {  	s23 =	simm.s32 $0x800;
	[dreg:$0x4] =	wrdreg s4;
	s9 =	sor.u32 s9, s11  }
.Ltmp0:
0x15: {  	s24 =	sadd.s32 s15, s8;
	s13 =	sadd.s32 $0x4E000, s0;
	(pc) =	sbr.rel .LBB2_1-.Ltmp0, $4  }
0x16: {  	s26 =	sshrl.u32 s25, $0x3;
	s0 =	simm.s32 $0x0;
	[dreg:$0x7] =	wrdreg s24  }
0x17: {  	s11 =	sshrl.u32 s9, $0x3;
	s9 =	sadd.s32 s2, s17;
	s24 =	sadd.s32 s26, s15  }
0x18: {  	s17 =	sshrl.u32 s16, $0x3;
	s26 =	simm.s32 $0x14C80;
	s10 =	sadd.s32 s15, s11  }
0x19: {  	s11 =	sadd.s32 s2, s18;
	s25 =	sadd.s32 $0x20, s9;
	s18 =	simm.s32 $0x8  }
.LBB2_5:
0x1a: {  	[bflag:$0x0] =	sbarrier.arrive $0xFFFF  }
0x1b: {  	[hbm:s12@s20], [sflag:s5] =	dma.strided [spmem:s17@s19], $0x2700, s18, $0x10   }
0x1c: {  	s2 =	simm.s32 @!p0 $0x8;
	_ =	swait.ge [sflag:s21], $0x2700  }
0x1d: {  	s4 =	simm.s32 @!p0 $0x100;
	s0 =	sadd.s32 $0x1, s0;
	[sflag:s21] =	ssyncset.done $0x0  }
0x1e: {  	s6 =	simm.s32 @!p0 $0x80;
	p1 =	sne.s32 s0, s14;
	[sflag:s21] =	ssyncadd.s32 $0xFFFFD900  }
0x1f: {  	[hbm:s13@s4], [sflag:s5] =	dma.strided @!p0 [spmem:s3@s6], $0x100, s2, $0x10   }
.Ltmp1:
0x20: {  	_ = 	snop;
	(pc) =	sbr.rel @!p1 .LBB2_6-.Ltmp1, $4  }
0x21: {  	s2 =	simm.s32 @!p0 $0x5  }
0x22: {  	_ =	swait.ge @!p0 [sflag:s2], $0x100  }
0x23: {  	[sflag:s2] =	ssyncset.done @!p0 $0x0  }
0x24: {  	[sflag:s2] =	ssyncadd.s32 @!p0 $0xFFFFFF00  }
.LBB2_1:
0x25: {  	s2 =	rddreg [dreg:$0x4]  }
0x26: {  	[spmem:s17@s19], [sflag:s5] =	dma.strided [hbm:s2@s20], $0x2700, s18, $0x10   }
0x27: {  	_ =	swait.ge [sflag:s21], $0x2700  }
0x28: {  	s15 =	simm.s32 @!p0 $0x80;
	s2 =	rddreg [dreg:$0x5]  }
0x29: {  	s16 =	simm.s32 @!p0 $0x100;
	[sflag:s21] =	ssyncset.done $0x0;
	s4 =	rddreg [dreg:$0x6]  }
0x2a: {  	[sflag:s21] =	ssyncadd.s32 $0xFFFFD900;
	s3 =	sshrl.u32 @!p0 s2, $0x3;
	s2 =	simm.s32 @!p0 $0x8  }
0x2b: {  	[spmem:s3@s15], [sflag:s5] =	dma.strided @!p0 [hbm:s4@s16], $0x100, s2, $0x10   }
0x2c: {  	s2 =	simm.s32 @!p0 $0x5  }
0x2d: {  	_ =	swait.ge @!p0 [sflag:s2], $0x100  }
0x2e: {  	[sflag:s2] =	ssyncset.done @!p0 $0x0  }
0x2f: {  	[sflag:s2] =	ssyncadd.s32 @!p0 $0xFFFFFF00  }
0x30: {  	[bflag:$0x0] =	sbarrier.arrive $0xFFFF  }
0x31: {  	s8 =	simm.s32 $0x13880;
	s7 =	rddreg [dreg:$0x7]  }
0x32: {  	[tilespmem:s8], [sflag:$0x1] =	stream.strided.gather [hbm4b:s7+s22], $0x1400, s23, s22, $0x38;
	[tilespmem:$0x16180] =	vst v63  }
0x33: {  	s15 =	simm.s32 $0x0;
	s16 =	simm.s32 $0x16080  }
0x34: {  	[tilespmem:s16], [sflag:$0x3] =	stream.linear.gather [hbm4b:s9+s15], $0x80, $0x38;
	[tilespmem:$0x16180] =	vst v63  }
.Ltmp2:
0x35: {  	_ = 	snop;
	(pc) =	sbr.rel .LBB2_2-.Ltmp2, $4  }
0x36: {  	[tilespmem:s26], [sflag:$0x2] =	stream.strided.gather [hbm4b:s10+s22], $0x1400, s23, s22, $0x38;
	[tilespmem:$0x16180] =	vst v63  }
0x37: {  	_ = 	snop  }
0x38: {  	[tilespmem:s28], [sflag:$0x4] =	stream.linear.gather [hbm4b:s11+s15], $0x80, $0x38;
	[tilespmem:$0x16180] =	vst v63  }
0x39: {  	s2 =	simm.s32 $0x0;
	s16 =	smov.u32 s24;
	s15 =	smov.u32 s25  }
.LBB2_4:
0x3a: {  	s2 =	sadd.s32 $0x1, s2  }
0x3b: {  	p1 =	sne.s32 s2, $0x7D  }
.Ltmp3:
0x3c: {  	_ = 	snop;
	(pc) =	sbr.rel @!p1 .LBB2_5-.Ltmp3, $2  }
0x3d: {  	_ =	sdelay $0x2  }
0x3e: {  	s15 =	sadd.s32 $0x10, s15;
	s16 =	sadd.s32 $0x500, s16  }
.LBB2_2:
0x3f: {  	s4 =	sand.u32 $0x1, s2  }
0x40: {  	p1 =	seq.s32 s4, $0x1  }
0x41: {  	s6 =	simm.s32 @!p1 $0x1  }
0x42: {  	_ =	swait.ge @!p1 [sflag:s6], $0x1400  }
0x43: {  	[sflag:s6] =	ssyncset.done @!p1 $0x0  }
0x44: {  	[sflag:s6] =	ssyncadd.s32 @!p1 $0xFFFFEC00;
	s6 =	simm.s32 @!p1 $0x3  }
0x45: {  	_ =	swait.ge @!p1 [sflag:s6], $0x80  }
0x46: {  	s7 =	simm.s32 @!p1 $0x16080;
	[sflag:s6] =	ssyncset.done @!p1 $0x0  }
0x47: {  	s8 =	simm.s32 @!p1 $0x13880;
	[sflag:s6] =	ssyncadd.s32 @!p1 $0xFFFFFF80;
	s6 =	simm.s32 @!p1 $0x28  }
0x48: {  	[spmem:s1] =	stream.indirect.scatter.add.f32 @!p1 [tilespmem:s8], [sflag:$0x5], $0x80, s7, s6, $0xb8;
	[tilespmem:$0x16180] =	vst v63  }
0x49: {  	p2 =	sgt.u32 @!p1 s2, $0x7A;
	s6 =	simm.s32 @!p1 $0x5  }
0x4a: {  	p2 =	por p2, p1;
	_ =	swait.ge @!p1 [sflag:s6], $0x1400  }
0x4b: {  	s7 =	simm.s32 @!p2 $0x800;
	[sflag:s6] =	ssyncset.done @!p1 $0x0  }
0x4c: {  	s8 =	simm.s32 @!p2 $0x13880;
	[sflag:s6] =	ssyncadd.s32 @!p1 $0xFFFFEC00;
	s6 =	simm.s32 @!p2 $0x400  }
0x4d: {  	[tilespmem:s8], [sflag:$0x1] =	stream.strided.gather @!p2 [hbm4b:s16+s6], $0x1400, s7, s6, $0x38;
	[tilespmem:$0x16180] =	vst v63  }
0x4e: {  	s6 =	simm.s32 @!p2 $0x0;
	s7 =	simm.s32 @!p2 $0x16080  }
0x4f: {  	[tilespmem:s7], [sflag:$0x3] =	stream.linear.gather @!p2 [hbm4b:s15+s6], $0x80, $0x38;
	[tilespmem:$0x16180] =	vst v63  }
0x50: {  	p2 =	seq.s32 @!p1 s4, $0x0  }
0x51: {  	p1 =	por p1, !p2  }
.Ltmp4:
0x52: {  	_ = 	snop;
	(pc) =	sbr.rel @!p1 .LBB2_4-.Ltmp4, $1  }
0x53: {  	_ =	sdelay $0x3  }
0x54: {  	_ =	swait.ge [sflag:s29], $0x1400  }
0x55: {  	[sflag:s29] =	ssyncset.done $0x0  }
0x56: {  	[sflag:s29] =	ssyncadd.s32 $0xFFFFEC00  }
0x57: {  	_ =	swait.ge [sflag:s30], $0x80  }
0x58: {  	[sflag:s30] =	ssyncset.done $0x0  }
0x59: {  	[sflag:s30] =	ssyncadd.s32 $0xFFFFFF80  }
0x5a: {  	[spmem:s1] =	stream.indirect.scatter.add.f32 [tilespmem:s26], [sflag:$0x5], $0x80, s28, s31, $0xb8;
	[tilespmem:$0x16180] =	vst v63  }
0x5b: {  	p1 =	sgt.u32 s2, $0x7A;
	_ =	swait.ge [sflag:s21], $0x1400  }
.Ltmp5:
0x5c: {  	s4 =	simm.s32 @!p1 $0x400;
	[sflag:s21] =	ssyncset.done $0x0;
	(pc) =	sbr.rel .LBB2_4-.Ltmp5, $4  }
0x5d: {  	s6 =	simm.s32 @!p1 $0x800;
	s7 =	simm.s32 @!p1 $0x14C80;
	[sflag:s21] =	ssyncadd.s32 $0xFFFFEC00  }
0x5e: {  	[tilespmem:s7], [sflag:$0x2] =	stream.strided.gather @!p1 [hbm4b:s16+s4], $0x1400, s6, s4, $0x38;
	[tilespmem:$0x16180] =	vst v63  }
0x5f: {  	s4 =	simm.s32 @!p1 $0x0;
	s6 =	simm.s32 @!p1 $0x16100  }
0x60: {  	[tilespmem:s6], [sflag:$0x4] =	stream.linear.gather @!p1 [hbm4b:s15+s4], $0x80, $0x38;
	[tilespmem:$0x16180] =	vst v63  }
.LBB2_6:
0x61: {  	_ =	sfence.sel $0x180000  }
0x62: {  	[bflag:$0x0] =	sbarrier.arrive $0xFFFF  }
0x63: {  	_ =	strace $0x9000004A  }
0x64: {  	s0 =	stileid.u32;
	[bflag:$0x2] =	sbarrier.arrive $0xFFFF  }
0x65: {  	p0 =	sne.s32 s0, $0x0;
	s0 =	rddreg [dreg:$0x3]  }
0x66: {  	s0 =	sadd.s32 @!p0 $0x100000, s0  }
0x67: {  	[sflag:s0] =	ssyncadd.tile.s32 @!p0 $0x1;
	_ =	shalt  }
.Lfunc_end2:
_tile_overlayer_lowered:
.L_overlay_start_2:
0x68: {  	(tag) =	ssettag $0x2  }
0x69: {  	s0 =	rddreg [dreg:$0x0];
	s2 =	stileid.u32  }
0x6a: {  	s1 =	rddreg [dreg:$0x1];
	p0 =	sne.s32 s2, $0x0  }
0x6b: {  	s3 =	rddreg [dreg:$0x2];
	[bflag:$0x3] =	sbarrier.arrive $0xFFFF;
	s2 =	simm.s32 @!p0 $0x1C05  }
0x6c: {  	[timem:s3], [sflag:s2] =	dma.local @!p0 [hbm:s0], s1  }
0x6d: {  	s0 =	simm.s32 @!p0 $0x5  }
0x6e: {  	_ =	swait.ge @!p0 [sflag:s0], s1  }
0x6f: {  	s1 =	ssub.s32 @!p0 $0x0, s1;
	[sflag:s0] =	ssyncset.done @!p0 $0x0  }
0x70: {  	[sflag:s0] =	ssyncadd.s32 @!p0 s1  }
0x71: {  	[bflag:$0x3] =	sbarrier.arrive $0xFFFF  }
0x72: {  	_ =	shalt  }

// kernel: kernel.7.cloned.1.call-start
scs
__scs_entry_jumppad:
0x0: {  	(pc) =	sbr.rel $0x88, $3  }
0x1: {  	(tag) =	ssettag $0x0;
	lr =	simm.s32 $0x1  }
0x2: {  	[smem:$0x3F96] =	sst lr;
	_ =	strace $0xD0000000  }
0x3: {  	_ = 	snop  }
0x4: {  	_ = 	snop  }
0x5: {  	_ = 	snop  }
0x6: {  	_ = 	snop  }
0x7: {  	_ = 	snop  }
__scs_overlays_trampoline_lowered:
0x8: {  	[smem:$0x3FA5] =	sst s0  }
0x9: {  	[smem:$0x3FA6] =	sst s1  }
0xa: {  	[smem:$0x3FA7] =	sst s2  }
0xb: {  	[smem:$0x3FA8] =	sst s3  }
0xc: {  	[smem:$0x3FA9] =	sst s4  }
0xd: {  	[smem:$0x3FAA] =	sst s5  }
0xe: {  	[smem:$0x3FAB] =	sst s6  }
0xf: {  	[smem:$0x3FAC] =	sst s7  }
0x10: {  	[smem:$0x3FAD] =	sst s8  }
0x11: {  	[smem:$0x3FAE] =	sst s9;
	s0 =	simm.s32 @!p0 $0x0  }
0x12: {  	s1 =	sld [smem:$0x3F94];
	s0 =	simm.s32 @p0 $0x1  }
0x13: {  	[smem:$0x3FAF] =	sst s0;
	s0 =	simm.s32 @!p1 $0x0  }
0x14: {  	s2 =	sld [smem:$0x3F93];
	s0 =	simm.s32 @p1 $0x1  }
0x15: {  	[smem:$0x3FB0] =	sst s0;
	s0 =	simm.s32 @!p2 $0x0  }
0x16: {  	s3 =	sld [smem:$0x3FDB];
	s0 =	simm.s32 @p2 $0x1  }
0x17: {  	s4 =	simm.s32 $0x1BF5;
	[smem:$0x3FB2] =	sst s0  }
0x18: {  	s0 =	sld [smem:$0x3F95];
	_ =	swait.ge [sflag:s4], $0x0  }
0x19: {  	s7 =	sld [smem:$0x3F96]  }
0x1a: {  	s8 =	sadd.s32 $0xFFFFE003, lr  }
0x1b: {  	s9 =	sadd.s32 $0xFFFFFEF7, lr;
	s5 =	simm.s32 $0xFFFFFFFF;
	p2 =	slt.u32 s8, $0xFFFFF086  }
0x1c: {  	p1 =	slt.u32 s9, $0xF7A;
	s5 =	simm.s32 @!p2 $0x0  }
0x1d: {  	s5 =	simm.s32 @p1 $0x1;
	p0 =	seq.s32 s7, s2  }
0x1e: {  	s7 =	smul.u32 @!p0 $0xF7A, s2;
	p2 =	seq.s32 @!p0 s5, $0x0  }
0x1f: {  	s9 =	smul.u32 $0xF7A, s1;
	s8 =	simm.s32 @!p0 $0x1BF5;
	p2 =	por !p2, p0  }
0x20: {  	[sflag:s8] =	ssyncset.s32 @!p0 $0xFFFFF086;
	s6 =	sadd.s32 @!p0 s3, s7;
	s7 =	simm.s32 @!p0 $0x108  }
0x21: {  	s3 =	sadd.s32 s3, s9;
	s6 =	sadd.s32 @!p0 $0x88, s6;
	s7 =	simm.s32 @p2 $0x1082  }
0x22: {  	[simem:s7], [sflag:s8] =	dma.local @!p0 [hbm:s6], $0xF7A  }
0x23: {  	s9 =	sor.u32 $0xD0000000, s2;
	s6 =	simm.s32 $0x108;
	_ =	swait.ge @!p0 [sflag:s8], $0x0  }
0x24: {  	s3 =	sadd.s32 $0x88, s3;
	s6 =	simm.s32 @!p1 $0x1082;
	[sflag:s4] =	ssyncset.s32 $0xFFFFF086  }
0x25: {  	[simem:s6], [sflag:s4] =	dma.local [hbm:s3], $0xF7A  }
0x26: {  	[smem:$0x3F96] =	sst s1;
	(tag) =	ssettag s2;
	_ =	strace s9  }
0x27: {  	s1 =	sld [smem:$0x3FA6]  }
0x28: {  	s2 =	sld [smem:$0x3FA7]  }
0x29: {  	s4 =	sld [smem:$0x3FA9]  }
0x2a: {  	p0 =	seq.s32 s5, $0x0;
	s5 =	sld [smem:$0x3FAA]  }
0x2b: {  	s6 =	sld [smem:$0x3FAB]  }
0x2c: {  	s7 =	sld [smem:$0x3FAC]  }
0x2d: {  	s3 =	simm.s32 $0x108;
	s8 =	sld [smem:$0x3FAD]  }
0x2e: {  	s3 =	simm.s32 @!p0 $0x1082;
	s9 =	sld [smem:$0x3FAE]  }
0x2f: {  	lr =	sadd.s32 s0, s3;
	s0 =	sld [smem:$0x3FA5]  }
0x30: {  	s3 =	sld [smem:$0x3FA8]  }
0x31: {  	[smem:$0x3FB1] =	sst s10  }
0x32: {  	s10 =	sld [smem:$0x3FAF];
	_ =	sdelay $0x3  }
0x33: {  	p0 =	seq.s32 s10, $0x1;
	s10 =	sld [smem:$0x3FB1];
	_ =	sdelay $0x3  }
0x34: {  	[smem:$0x3FB1] =	sst s10  }
0x35: {  	s10 =	sld [smem:$0x3FB0];
	_ =	sdelay $0x3  }
0x36: {  	p1 =	seq.s32 s10, $0x1;
	s10 =	sld [smem:$0x3FB1];
	_ =	sdelay $0x3  }
0x37: {  	[smem:$0x3FB1] =	sst s10  }
0x38: {  	s10 =	sld [smem:$0x3FB2]  }
0x39: {  	_ = 	snop;
	(pc) =	sbr.ind lr, $3  }
0x3a: {  	_ = 	snop  }
0x3b: {  	_ = 	snop  }
0x3c: {  	p2 =	seq.s32 s10, $0x1;
	s10 =	sld [smem:$0x3FB1]  }
0x3d: {  	_ =	shalt  }
0x3e: {  	_ =	shalt  }
0x3f: {  	_ =	shalt  }
0x40: {  	_ =	shalt  }
0x41: {  	_ =	shalt  }
0x42: {  	_ =	shalt  }
0x43: {  	_ =	shalt  }
0x44: {  	_ =	shalt  }
0x45: {  	_ =	shalt  }
0x46: {  	_ =	shalt  }
0x47: {  	_ =	shalt  }
0x48: {  	_ =	shalt  }
0x49: {  	_ =	shalt  }
0x4a: {  	_ =	shalt  }
0x4b: {  	_ =	shalt  }
0x4c: {  	_ =	shalt  }
0x4d: {  	_ =	shalt  }
0x4e: {  	_ =	shalt  }
0x4f: {  	_ =	shalt  }
0x50: {  	_ =	shalt  }
0x51: {  	_ =	shalt  }
0x52: {  	_ =	shalt  }
0x53: {  	_ =	shalt  }
0x54: {  	_ =	shalt  }
0x55: {  	_ =	shalt  }
0x56: {  	_ =	shalt  }
0x57: {  	_ =	shalt  }
0x58: {  	_ =	shalt  }
0x59: {  	_ =	shalt  }
0x5a: {  	_ =	shalt  }
0x5b: {  	_ =	shalt  }
0x5c: {  	_ =	shalt  }
0x5d: {  	_ =	shalt  }
0x5e: {  	_ =	shalt  }
0x5f: {  	_ =	shalt  }
0x60: {  	_ =	shalt  }
0x61: {  	_ =	shalt  }
0x62: {  	_ =	shalt  }
0x63: {  	_ =	shalt  }
0x64: {  	_ =	shalt  }
0x65: {  	_ =	shalt  }
0x66: {  	_ =	shalt  }
0x67: {  	_ =	shalt  }
0x68: {  	_ =	shalt  }
0x69: {  	_ =	shalt  }
0x6a: {  	_ =	shalt  }
0x6b: {  	_ =	shalt  }
0x6c: {  	_ =	shalt  }
0x6d: {  	_ =	shalt  }
0x6e: {  	_ =	shalt  }
0x6f: {  	_ =	shalt  }
0x70: {  	_ =	shalt  }
0x71: {  	_ =	shalt  }
0x72: {  	_ =	shalt  }
0x73: {  	_ =	shalt  }
0x74: {  	_ =	shalt  }
0x75: {  	_ =	shalt  }
0x76: {  	_ =	shalt  }
0x77: {  	_ =	shalt  }
0x78: {  	_ =	shalt  }
0x79: {  	_ =	shalt  }
0x7a: {  	_ =	shalt  }
0x7b: {  	_ =	shalt  }
0x7c: {  	_ =	shalt  }
0x7d: {  	_ =	shalt  }
0x7e: {  	_ =	shalt  }
0x7f: {  	_ =	shalt  }
0x80: {  	_ =	shalt  }
0x81: {  	_ =	shalt  }
0x82: {  	_ =	shalt  }
0x83: {  	_ =	shalt  }
0x84: {  	_ =	shalt  }
0x85: {  	_ =	shalt  }
0x86: {  	_ =	shalt  }
0x87: {  	_ =	shalt  }
.Lfunc_end0:
.L_simem_size_0:
called_computation_lowered:
.L_overlay_start_0:
0x88: {  	s2 =	sld [smem:$0x3FD9]  }
0x89: {  	s3 =	sld [smem:$0x3FFE];
	_ =	sdelay $0x1  }
0x8a: {  	s1 =	srdreg.scid  }
0x8b: {  	s0 =	sand.u32 $0x1, s1  }
0x8c: {  	s14 =	sshll.u32 s0, $0xA;
	s2 =	sadd.s32 s3, s2  }
0x8d: {  	s2 =	sadd.s32 s2, s14  }
0x8e: {  	[smem:$0x3FBD] =	sst s2  }
0x8f: {  	_ = 	snop  }
0x90: {  	s2 =	sld [smem:$0x3FD0];
	_ =	sdelay $0x2  }
0x91: {  	s15 =	simm.s32 $0xA;
	s4 =	simm.s32 $0x10  }
0x92: {  	[smem:s4], [sflag:s15] =	dma.local [hbm:s2], $0x1  }
0x93: {  	_ =	swait.eq [sflag:s15], $0x1  }
0x94: {  	[sflag:s15] =	ssyncset.done $0x0  }
0x95: {  	[sflag:s15] =	ssyncadd.s32 $0xFFFFFFFF  }
0x96: {  	s16 =	sld [smem:$0x10];
	(tm) =	ssettm $0x1  }
0x97: {  	s17 =	sld [smem:$0x3FFB];
	_ =	sdelay $0x3  }
0x98: {  	_ =	strace s17  }
0x99: {  	s3 =	sld [smem:$0x3FFC];
	_ =	sdelay $0x3  }
0x9a: {  	_ =	strace s3  }
0x9b: {  	s3 =	sld [smem:$0x3FFD];
	_ =	sdelay $0x3  }
0x9c: {  	_ =	strace s3  }
0x9d: {  	_ =	strace $0x8FFFFFFF  }
0x9e: {  	s18 =	sld [smem:$0x3FDB];
	_ =	sdelay $0x1  }
0x9f: {  	s19 =	simm.s32 $_scs_section_size  }
0xa0: {  	s5 =	simm.s32 $_size__tile_overlayer_lowered;
	s6 =	simm.s32 $_tile_overlayer_lowered  }
0xa1: {  	s22 =	simm.s32 $0x1BFF;
	s21 =	sshll.u32 s6, $0x1;
	s3 =	sadd.s32 s19, s18  }
0xa2: {  	s7 =	simm.s32 $0x0;
	s20 =	sshll.u32 s5, $0x1;
	s5 =	sadd.s32 s21, s3  }
0xa3: {  	[timem:s7], [sflag:s22] =	dma.local [hbm:s5], s20  }
0xa4: {  	_ =	swait.ge [sflag:s22], s20  }
0xa5: {  	s4 =	ssub.s32 $0x0, s20;
	[sflag:s22] =	ssyncset.done $0x0  }
0xa6: {  	[sflag:s22] =	ssyncadd.s32 s4;
	_ =	sdelay $0x1  }
0xa7: {  	s23 =	simm.s32 $0x1B8B  }
0xa8: {  	_ =	swait.ge [sflag:s23], $0x1  }
0xa9: {  	[sflag:s23] =	ssyncset.done $0x0  }
0xaa: {  	s25 =	simm.s32 $0x1B8E;
	s24 =	sld [smem:$0x3FFE];
	[sflag:s23] =	ssyncadd.s32 $0xFFFFFFFF  }
0xab: {  	s26 =	simm.s32 $execute0_lowered;
	[smem:$0x3FD2] =	sst s25  }
0xac: {  	s5 =	sshll.u32 s26, $0x1;
	_ =	strace $0x80000046;
	[dreg:$0x1] =	wrdreg $0xFFFFFFFF  }
0xad: {  	s28 =	simm.s32 $_size_execute0_lowered;
	s3 =	sadd.s32 s3, s5;
	[dreg:$0x0] =	wrdreg $0x0  }
0xae: {  	s5 =	sshll.u32 s28, $0x1;
	[dreg:$0x2] =	wrdreg s3  }
0xaf: {  	[dreg:$0x3] =	wrdreg s5  }
0xb0: {  	[dreg:$0x4] =	wrdreg $0xC0  }
0xb1: {  	_ =	task [dreg:s7], $0x5FFFF  }
0xb2: {  	[dreg:$0x1] =	wrdreg $0xFFFFFFFF  }
0xb3: {  	[dreg:$0x0] =	wrdreg $0x60  }
0xb4: {  	[dreg:$0x2] =	wrdreg s24  }
0xb5: {  	[dreg:$0x3] =	wrdreg s16  }
0xb6: {  	[dreg:$0x4] =	wrdreg $0x0  }
0xb7: {  	[dreg:$0x5] =	wrdreg $0x9  }
0xb8: {  	_ =	task.clear_ibuf [dreg:s7], $0x6FFFF;
	_ =	strace $0x90000046  }
0xb9: {  	s29 =	simm.s32 $0x9;
	_ =	strace $0x80000048  }
0xba: {  	_ =	swait.ge [sflag:s29], $0x1  }
0xbb: {  	[sflag:s29] =	ssyncadd.s32 $0xFFFFFFFF  }
0xbc: {  	_ =	strace $0x90000048  }
0xbd: {  	_ =	sfence  }
0xbe: {  	s30 =	sld [smem:$0x0];
	_ =	sdelay $0x2  }
0xbf: {  	s31 =	sshll.u32 s1, $0xD;
	s1 =	sshrl.u32 s1, $0x2  }
0xc0: {  	s3 =	sand.u32 $0x4000, s31;
	s1 =	sadd.s32 s1, s30  }
0xc1: {  	s0 =	sor.u32 s3, s0;
	s1 =	sshll.u32 s1, $0x11  }
0xc2: {  	s0 =	sor.u32 s1, s0  }
0xc3: {  	s0 =	sadd.s32 $0x8F2B, s0  }
0xc4: {  	[sflag:s0] =	ssyncadd.remote.s32 $0x1  }
0xc5: {  	_ =	sfence.sel $0xFFFF  }
0xc6: {  	[dreg:$0x0] =	wrdreg $0xFFFFFFFF;
	(pc) =	sbr.abs _section_cstart, $3  }
0xc7: {  	[dreg:$0x1] =	wrdreg $0xFFFFFFFF  }
0xc8: {  	_ =	task.clear_ibuf [dreg:s7], $0x2FFFF;
	_ =	strace $0x9FFFFFFF  }
0xc9: {  	(tm) =	ssettm $0x7FFFFFFF  }
tec
execute0_lowered:
.L_overlay_start_1:
0x0: {  	(tag) =	ssettag $0x1  }
0x1: {  	s0 =	rddreg [dreg:$0x0]  }
0x2: {  	s2 =	rddreg [dreg:$0x1]  }
0x3: {  	s1 =	rddreg [dreg:$0x2];
	s3 =	simm.s32 $0x0  }
0x4: {  	s12 =	srdreg.scid;
	s19 =	stileid.u32;
	s28 =	simm.s32 $0x16100  }
0x5: {  	s29 =	simm.s32 $0x2;
	s30 =	simm.s32 $0x4;
	s31 =	simm.s32 $0x28  }
0x6: {  	[smem:$0x7FF] =	sst s3;
	s15 =	sadd.s32 $0x273800, s0;
	s5 =	smul.u32 $0x27000, s19  }
0x7: {  	s3 =	sand.u32 $0x1, s12;
	s6 =	sadd.s32 $0x4E4800, s0;
	s8 =	smul.u32 $0x4E000, s19  }
0x8: {  	s0 =	sadd.s32 $0x532A00, s0;
	s17 =	smul.u32 $0x7D, s19;
	s18 =	sshll.u32 s19, $0x6  }
0x9: {  	s20 =	smul.u32 $0x138800, s19;
	s22 =	sadd.s32 $0x138000, s1;
	p0 =	sne.s32 s19, $0xF  }
0xa: {  	_ =	strace $0x80000047;
	s4 =	ssub.s32 $0x2, s3;
	s9 =	sshll.u32 s3, $0xA  }
0xb: {  	s3 =	sshll.u32 s3, $0x7;
	[dreg:$0x5] =	wrdreg s22;
	s22 =	simm.s32 $0x400  }
0xc: {  	s7 =	sshrl.u32 s4, $0x1;
	s13 =	sor.u32 s9, s5;
	s16 =	sshrl.u32 s8, $0x2  }
0xd: {  	s10 =	sadd.s32 $0x1, s17;
	s5 =	sor.u32 $0x1C05, s18;
	s21 =	sadd.s32 s3, s6  }
0xe: {  	s17 =	smul.u32 $0x7D0, s19;
	s19 =	simm.s32 $0x80;
	s14 =	ssub.s32 s4, s7  }
0xf: {  	s12 =	sshrl.u32 s13, $0x3;
	s16 =	sadd.s32 s16, s1;
	s11 =	smul.u32 $0x2800, s10  }
0x10: {  	s23 =	sadd.s32 $0x4E000, s21;
	s13 =	sor.u32 s9, s20;
	s18 =	sshll.u32 s10, $0x4  }
0x11: {  	s20 =	simm.s32 $0x100;
	s21 =	simm.s32 $0x5;
	s4 =	sadd.s32 s6, s12  }
0x12: {  	[dreg:$0x6] =	wrdreg s23;
	s8 =	sshrl.u32 s13, $0x3;
	s12 =	sadd.s32 s0, s12  }
0x13: {  	s0 =	sadd.s32 s3, s0;
	s25 =	sadd.s32 $0x5000, s13;
	s14 =	smax.u32 s14, $0x1  }
0x14: {  	s23 =	simm.s32 $0x800;
	[dreg:$0x4] =	wrdreg s4;
	s9 =	sor.u32 s9, s11  }
.Ltmp0:
0x15: {  	s24 =	sadd.s32 s15, s8;
	s13 =	sadd.s32 $0x4E000, s0;
	(pc) =	sbr.rel .LBB2_1-.Ltmp0, $4  }
0x16: {  	s26 =	sshrl.u32 s25, $0x3;
	s0 =	simm.s32 $0x0;
	[dreg:$0x7] =	wrdreg s24  }
0x17: {  	s11 =	sshrl.u32 s9, $0x3;
	s9 =	sadd.s32 s2, s17;
	s24 =	sadd.s32 s26, s15  }
0x18: {  	s17 =	sshrl.u32 s16, $0x3;
	s26 =	simm.s32 $0x14C80;
	s10 =	sadd.s32 s15, s11  }
0x19: {  	s11 =	sadd.s32 s2, s18;
	s25 =	sadd.s32 $0x20, s9;
	s18 =	simm.s32 $0x8  }
.LBB2_5:
0x1a: {  	[bflag:$0x0] =	sbarrier.arrive $0xFFFF  }
0x1b: {  	[hbm:s12@s20], [sflag:s5] =	dma.strided [spmem:s17@s19], $0x2700, s18, $0x10   }
0x1c: {  	s2 =	simm.s32 @!p0 $0x8;
	_ =	swait.ge [sflag:s21], $0x2700  }
0x1d: {  	s4 =	simm.s32 @!p0 $0x100;
	s0 =	sadd.s32 $0x1, s0;
	[sflag:s21] =	ssyncset.done $0x0  }
0x1e: {  	s6 =	simm.s32 @!p0 $0x80;
	p1 =	sne.s32 s0, s14;
	[sflag:s21] =	ssyncadd.s32 $0xFFFFD900  }
0x1f: {  	[hbm:s13@s4], [sflag:s5] =	dma.strided @!p0 [spmem:s3@s6], $0x100, s2, $0x10   }
.Ltmp1:
0x20: {  	_ = 	snop;
	(pc) =	sbr.rel @!p1 .LBB2_6-.Ltmp1, $4  }
0x21: {  	s2 =	simm.s32 @!p0 $0x5  }
0x22: {  	_ =	swait.ge @!p0 [sflag:s2], $0x100  }
0x23: {  	[sflag:s2] =	ssyncset.done @!p0 $0x0  }
0x24: {  	[sflag:s2] =	ssyncadd.s32 @!p0 $0xFFFFFF00  }
.LBB2_1:
0x25: {  	s2 =	rddreg [dreg:$0x4]  }
0x26: {  	[spmem:s17@s19], [sflag:s5] =	dma.strided [hbm:s2@s20], $0x2700, s18, $0x10   }
0x27: {  	_ =	swait.ge [sflag:s21], $0x2700  }
0x28: {  	s15 =	simm.s32 @!p0 $0x80;
	s2 =	rddreg [dreg:$0x5]  }
0x29: {  	s16 =	simm.s32 @!p0 $0x100;
	[sflag:s21] =	ssyncset.done $0x0;
	s4 =	rddreg [dreg:$0x6]  }
0x2a: {  	[sflag:s21] =	ssyncadd.s32 $0xFFFFD900;
	s3 =	sshrl.u32 @!p0 s2, $0x3;
	s2 =	simm.s32 @!p0 $0x8  }
0x2b: {  	[spmem:s3@s15], [sflag:s5] =	dma.strided @!p0 [hbm:s4@s16], $0x100, s2, $0x10   }
0x2c: {  	s2 =	simm.s32 @!p0 $0x5  }
0x2d: {  	_ =	swait.ge @!p0 [sflag:s2], $0x100  }
0x2e: {  	[sflag:s2] =	ssyncset.done @!p0 $0x0  }
0x2f: {  	[sflag:s2] =	ssyncadd.s32 @!p0 $0xFFFFFF00  }
0x30: {  	[bflag:$0x0] =	sbarrier.arrive $0xFFFF  }
0x31: {  	s8 =	simm.s32 $0x13880;
	s7 =	rddreg [dreg:$0x7]  }
0x32: {  	[tilespmem:s8], [sflag:$0x1] =	stream.strided.gather [hbm4b:s7+s22], $0x1400, s23, s22, $0x38;
	[tilespmem:$0x16180] =	vst v63  }
0x33: {  	s15 =	simm.s32 $0x0;
	s16 =	simm.s32 $0x16080  }
0x34: {  	[tilespmem:s16], [sflag:$0x3] =	stream.linear.gather [hbm4b:s9+s15], $0x80, $0x38;
	[tilespmem:$0x16180] =	vst v63  }
.Ltmp2:
0x35: {  	_ = 	snop;
	(pc) =	sbr.rel .LBB2_2-.Ltmp2, $4  }
0x36: {  	[tilespmem:s26], [sflag:$0x2] =	stream.strided.gather [hbm4b:s10+s22], $0x1400, s23, s22, $0x38;
	[tilespmem:$0x16180] =	vst v63  }
0x37: {  	_ = 	snop  }
0x38: {  	[tilespmem:s28], [sflag:$0x4] =	stream.linear.gather [hbm4b:s11+s15], $0x80, $0x38;
	[tilespmem:$0x16180] =	vst v63  }
0x39: {  	s2 =	simm.s32 $0x0;
	s16 =	smov.u32 s24;
	s15 =	smov.u32 s25  }
.LBB2_4:
0x3a: {  	s2 =	sadd.s32 $0x1, s2  }
0x3b: {  	p1 =	sne.s32 s2, $0x7D  }
.Ltmp3:
0x3c: {  	_ = 	snop;
	(pc) =	sbr.rel @!p1 .LBB2_5-.Ltmp3, $2  }
0x3d: {  	_ =	sdelay $0x2  }
0x3e: {  	s15 =	sadd.s32 $0x10, s15;
	s16 =	sadd.s32 $0x500, s16  }
.LBB2_2:
0x3f: {  	s4 =	sand.u32 $0x1, s2  }
0x40: {  	p1 =	seq.s32 s4, $0x1  }
0x41: {  	s6 =	simm.s32 @!p1 $0x1  }
0x42: {  	_ =	swait.ge @!p1 [sflag:s6], $0x1400  }
0x43: {  	[sflag:s6] =	ssyncset.done @!p1 $0x0  }
0x44: {  	[sflag:s6] =	ssyncadd.s32 @!p1 $0xFFFFEC00;
	s6 =	simm.s32 @!p1 $0x3  }
0x45: {  	_ =	swait.ge @!p1 [sflag:s6], $0x80  }
0x46: {  	s7 =	simm.s32 @!p1 $0x16080;
	[sflag:s6] =	ssyncset.done @!p1 $0x0  }
0x47: {  	s8 =	simm.s32 @!p1 $0x13880;
	[sflag:s6] =	ssyncadd.s32 @!p1 $0xFFFFFF80;
	s6 =	simm.s32 @!p1 $0x28  }
0x48: {  	[spmem:s1] =	stream.indirect.scatter.add.f32 @!p1 [tilespmem:s8], [sflag:$0x5], $0x80, s7, s6, $0xb8;
	[tilespmem:$0x16180] =	vst v63  }
0x49: {  	p2 =	sgt.u32 @!p1 s2, $0x7A;
	s6 =	simm.s32 @!p1 $0x5  }
0x4a: {  	p2 =	por p2, p1;
	_ =	swait.ge @!p1 [sflag:s6], $0x1400  }
0x4b: {  	s7 =	simm.s32 @!p2 $0x800;
	[sflag:s6] =	ssyncset.done @!p1 $0x0  }
0x4c: {  	s8 =	simm.s32 @!p2 $0x13880;
	[sflag:s6] =	ssyncadd.s32 @!p1 $0xFFFFEC00;
	s6 =	simm.s32 @!p2 $0x400  }
0x4d: {  	[tilespmem:s8], [sflag:$0x1] =	stream.strided.gather @!p2 [hbm4b:s16+s6], $0x1400, s7, s6, $0x38;
	[tilespmem:$0x16180] =	vst v63  }
0x4e: {  	s6 =	simm.s32 @!p2 $0x0;
	s7 =	simm.s32 @!p2 $0x16080  }
0x4f: {  	[tilespmem:s7], [sflag:$0x3] =	stream.linear.gather @!p2 [hbm4b:s15+s6], $0x80, $0x38;
	[tilespmem:$0x16180] =	vst v63  }
0x50: {  	p2 =	seq.s32 @!p1 s4, $0x0  }
0x51: {  	p1 =	por p1, !p2  }
.Ltmp4:
0x52: {  	_ = 	snop;
	(pc) =	sbr.rel @!p1 .LBB2_4-.Ltmp4, $1  }
0x53: {  	_ =	sdelay $0x3  }
0x54: {  	_ =	swait.ge [sflag:s29], $0x1400  }
0x55: {  	[sflag:s29] =	ssyncset.done $0x0  }
0x56: {  	[sflag:s29] =	ssyncadd.s32 $0xFFFFEC00  }
0x57: {  	_ =	swait.ge [sflag:s30], $0x80  }
0x58: {  	[sflag:s30] =	ssyncset.done $0x0  }
0x59: {  	[sflag:s30] =	ssyncadd.s32 $0xFFFFFF80  }
0x5a: {  	[spmem:s1] =	stream.indirect.scatter.add.f32 [tilespmem:s26], [sflag:$0x5], $0x80, s28, s31, $0xb8;
	[tilespmem:$0x16180] =	vst v63  }
0x5b: {  	p1 =	sgt.u32 s2, $0x7A;
	_ =	swait.ge [sflag:s21], $0x1400  }
.Ltmp5:
0x5c: {  	s4 =	simm.s32 @!p1 $0x400;
	[sflag:s21] =	ssyncset.done $0x0;
	(pc) =	sbr.rel .LBB2_4-.Ltmp5, $4  }
0x5d: {  	s6 =	simm.s32 @!p1 $0x800;
	s7 =	simm.s32 @!p1 $0x14C80;
	[sflag:s21] =	ssyncadd.s32 $0xFFFFEC00  }
0x5e: {  	[tilespmem:s7], [sflag:$0x2] =	stream.strided.gather @!p1 [hbm4b:s16+s4], $0x1400, s6, s4, $0x38;
	[tilespmem:$0x16180] =	vst v63  }
0x5f: {  	s4 =	simm.s32 @!p1 $0x0;
	s6 =	simm.s32 @!p1 $0x16100  }
0x60: {  	[tilespmem:s6], [sflag:$0x4] =	stream.linear.gather @!p1 [hbm4b:s15+s4], $0x80, $0x38;
	[tilespmem:$0x16180] =	vst v63  }
.LBB2_6:
0x61: {  	_ =	sfence.sel $0x180000  }
0x62: {  	[bflag:$0x0] =	sbarrier.arrive $0xFFFF  }
0x63: {  	_ =	strace $0x90000047  }
0x64: {  	s0 =	stileid.u32;
	[bflag:$0x2] =	sbarrier.arrive $0xFFFF  }
0x65: {  	p0 =	sne.s32 s0, $0x0;
	s0 =	rddreg [dreg:$0x3]  }
0x66: {  	s0 =	sadd.s32 @!p0 $0x100000, s0  }
0x67: {  	[sflag:s0] =	ssyncadd.tile.s32 @!p0 $0x1;
	_ =	shalt  }
.Lfunc_end2:
_tile_overlayer_lowered:
.L_overlay_start_2:
0x68: {  	(tag) =	ssettag $0x2  }
0x69: {  	s0 =	rddreg [dreg:$0x0];
	s2 =	stileid.u32  }
0x6a: {  	s1 =	rddreg [dreg:$0x1];
	p0 =	sne.s32 s2, $0x0  }
0x6b: {  	s3 =	rddreg [dreg:$0x2];
	[bflag:$0x3] =	sbarrier.arrive $0xFFFF;
	s2 =	simm.s32 @!p0 $0x1C05  }
0x6c: {  	[timem:s3], [sflag:s2] =	dma.local @!p0 [hbm:s0], s1  }
0x6d: {  	s0 =	simm.s32 @!p0 $0x5  }
0x6e: {  	_ =	swait.ge @!p0 [sflag:s0], s1  }
0x6f: {  	s1 =	ssub.s32 @!p0 $0x0, s1;
	[sflag:s0] =	ssyncset.done @!p0 $0x0  }
0x70: {  	[sflag:s0] =	ssyncadd.s32 @!p0 s1  }
0x71: {  	[bflag:$0x3] =	sbarrier.arrive $0xFFFF  }
0x72: {  	_ =	shalt  }

</sc_bundles>
